<compile_context>
chip_gen: v7x
topology: tpu7x:2x2x1
jax: 0.10.2.dev20260603
libtpu: 0.0.44.dev20260713+nightly
codegen_flags: <defaults>
</compile_context>

<pallas_src>
import functools
import numpy as np
import jax
import jax.numpy as jnp
from jax import lax
from jax.experimental import pallas as pl
from jax.experimental.pallas import tpu as pltpu
from jax.experimental.pallas import tpu_sc as plsc

RES = 23
NE = RES * RES
NDOF = 1152
WROW = 1168
NT = 16
TR = NDOF // NT
BATCH = 16
KS = (1, 3, 5)
CH = {1: 64, 3: 64, 5: 32}
LP = {1: 16, 3: 32, 5: 80}
VW = 128
NC, NS = 2, 16
NW = NC * NS


def _build_static():
    out = {}
    for k in KS:
        kk = k + 1
        L = 2 * kk * kk
        n2 = 2 * (RES + k) * (RES + k)
        glob = np.arange((RES + k) * (RES + k)).reshape(RES + k, RES + k)
        loc = np.zeros((NE, L), dtype=np.int64)
        for i in range(NE):
            col = i % RES
            row = i // RES
            gv = glob[row:row + kk, col:col + kk].flatten()
            loc[i] = np.vstack([2 * gv, 2 * gv + 1]).T.flatten()
        if k == 1:
            fmap = np.arange(n2)
        else:
            pad = (k - 1) // 2
            inner_node = glob[pad:-pad, pad:-pad].flatten()
            inner = np.vstack([2 * inner_node, 2 * inner_node + 1]).T.flatten()
            fmap = -np.ones(n2, dtype=np.int64)
            fmap[inner] = np.arange(NDOF)
        floc = fmap[loc]
        lists = [[] for _ in range(NT)]
        for e in range(NE):
            fr = floc[e]
            for p in range(L):
                r = fr[p]
                if r < 0:
                    continue
                t = r // TR
                lists[t].append((e * L + p, (r - t * TR) * WROW, e))
        ch = CH[k]
        lp = LP[k]
        npad = ((max(len(l) for l in lists) + ch - 1) // ch) * ch
        gid = np.zeros((NT, npad), dtype=np.int32)
        addr = np.zeros((NT, npad, lp), dtype=np.int32)
        trash_base = TR * WROW
        lanes = np.arange(lp)
        for t in range(NT):
            for i in range(npad):
                if i < len(lists[t]):
                    g, base, e = lists[t][i]
                    gid[t, i] = g
                    cols = np.concatenate([floc[e], -np.ones(lp - L, np.int64)])
                    addr[t, i] = np.where(
                        cols >= 0, base + cols, base + NDOF + (lanes % 16))
                else:
                    gid[t, i] = 0
                    addr[t, i] = trash_base + (lanes % 16)
        out[k] = (gid, addr, npad, L, lp, ch)
    return out


_WL = _build_static()


def _tri_offsets(L):
    return [i * (i + 1) // 2 for i in range(L)]


def _diag_mask(L):
    ltri = L * (L + 1) // 2
    m = np.zeros((1, ltri), dtype=np.float32)
    for i in range(L):
        m[0, i * (i + 1) // 2 + i] = 1.0
    return m


NB = 23
NPB = NE // NB


def _tc_body(*refs):
    ins = refs[:27]
    o = {1: refs[27], 3: refs[28], 5: refs[29]}
    b3s = {1: refs[30], 3: refs[31], 5: refs[32]}
    nb = pl.program_id(1)
    for j, k in enumerate(KS):
        pat, w1, b1, w2, b2, w3, b3, wm, dm = ins[9 * j:9 * (j + 1)]
        L = 2 * (k + 1) ** 2
        b3r = b3s[k]

        @pl.when(nb == 0)
        def _(pat=pat, w1=w1, b1=b1, w2=w2, b2=b2, w3=w3, b3=b3, wm=wm,
              dm=dm, b3r=b3r, L=L):
            p = pat[0]
            h = jnp.maximum(jnp.dot(p, w1[...], preferred_element_type=jnp.float32) + b1[...], 0.0)
            h = jnp.maximum(jnp.dot(h, w2[...], preferred_element_type=jnp.float32) + b2[...], 0.0)
            h = jnp.maximum(jnp.dot(h, w3[...], preferred_element_type=jnp.float32) + b3[...], 0.0)
            bf = jnp.dot(h, wm[...], preferred_element_type=jnp.float32)
            bf = jnp.where(dm[...] > 0.5, jnp.maximum(bf, 0.0), bf)
            offs = _tri_offsets(L)
            b3r[...] = jnp.zeros((NE, L, L), jnp.float32)
            for i in range(L):
                b3r[:, i, 0:i + 1] = bf[:, offs[i]:offs[i] + i + 1]

        oref = o[k]
        oref[0, :, L:VW] = jnp.zeros((NPB * L, VW - L), jnp.float32)

        def mm(m, _, b3r=b3r, oref=oref, L=L, nb=nb):
            a = b3r[pl.ds(nb * NPB + m, 1)][0]
            r = lax.dot_general(a, a, (((1,), (1,)), ((), ())),
                                preferred_element_type=jnp.float32)
            oref[0, pl.ds(m * L, L), 0:L] = r
            return 0

        lax.fori_loop(0, NPB, mm, 0)


def _run_tc(pats, weights):
    in_specs = []
    args = []
    for k in KS:
        L = 2 * (k + 1) ** 2
        ck = 2 * k * k
        w1, b1, w2, b2, w3, b3, wm = weights[k]
        dm = jnp.asarray(_diag_mask(L))
        args += [pats[k], w1, b1, w2, b2, w3, b3, wm, dm]
        in_specs += [
            pl.BlockSpec((1, NE, ck), lambda b, nb: (b, 0, 0)),
            pl.BlockSpec(w1.shape, lambda b, nb: (0, 0)),
            pl.BlockSpec(b1.shape, lambda b, nb: (0, 0)),
            pl.BlockSpec(w2.shape, lambda b, nb: (0, 0)),
            pl.BlockSpec(b2.shape, lambda b, nb: (0, 0)),
            pl.BlockSpec(w3.shape, lambda b, nb: (0, 0)),
            pl.BlockSpec(b3.shape, lambda b, nb: (0, 0)),
            pl.BlockSpec(wm.shape, lambda b, nb: (0, 0)),
            pl.BlockSpec(dm.shape, lambda b, nb: (0, 0)),
        ]
    out_shapes = []
    out_specs = []
    for k in KS:
        L = 2 * (k + 1) ** 2
        out_shapes.append(jax.ShapeDtypeStruct((BATCH, NE * L, VW), jnp.float32))
        out_specs.append(pl.BlockSpec((1, NPB * L, VW), lambda b, nb: (b, nb, 0)))
    scratch = [pltpu.VMEM((NE, 2 * (k + 1) ** 2, 2 * (k + 1) ** 2), jnp.float32)
               for k in KS]
    outs = pl.pallas_call(
        _tc_body,
        grid=(BATCH, NB),
        in_specs=in_specs,
        out_specs=out_specs,
        out_shape=out_shapes,
        scratch_shapes=scratch,
        compiler_params=pltpu.CompilerParams(vmem_limit_bytes=120 * 2 ** 20),
    )(*args)
    return {k: outs[j] for j, k in enumerate(KS)}


def _sc_assemble(bm1, bm3, bm5, g1, a1, g3, a3, g5, a5):
    mesh = plsc.VectorSubcoreMesh(core_axis_name="c", subcore_axis_name="s",
                                  num_cores=NC)
    acc_n = (TR + 1) * WROW
    scratch = [pltpu.VMEM((acc_n,), jnp.float32)]
    for k in KS:
        scratch += [pltpu.VMEM((CH[k], VW), jnp.float32),
                    pltpu.VMEM((CH[k], LP[k]), jnp.int32),
                    pltpu.VMEM((CH[k],), jnp.int32)]
    scratch.append(pltpu.SemaphoreType.DMA)

    @functools.partial(
        pl.kernel,
        out_type=jax.ShapeDtypeStruct((BATCH, NT, TR * WROW), jnp.float32),
        mesh=mesh,
        scratch_types=scratch,
        compiler_params=pltpu.CompilerParams(needs_layout_passes=False),
    )
    def body(bm1h, bm3h, bm5h, g1h, a1h, g3h, a3h, g5h, a5h, outh,
             acc, v1, av1, gv1, v3, av3, gv3, v5, av5, gv5, sem):
        wid = lax.axis_index("s") * NC + lax.axis_index("c")
        kparams = {1: (bm1h, g1h, a1h, v1, av1, gv1),
                   3: (bm3h, g3h, a3h, v3, av3, gv3),
                   5: (bm5h, g5h, a5h, v5, av5, gv5)}

        def task(i, _):
            tid = wid * (BATCH * NT // NW) + i
            b = tid // NT
            t = tid - b * NT

            def zero(jz, _):
                acc[pl.ds(jz * 16, 16)] = jnp.zeros((16,), jnp.float32)
                return 0

            lax.fori_loop(0, acc_n // 16, zero, 0)
            for k in KS:
                bmh, gh, ah, vv, av, gv = kparams[k]
                L = 2 * (k + 1) ** 2
                lp = LP[k]
                ch = CH[k]
                npad = _WL[k][2]
                boff = b * (NE * L)

                def chunk(c, _, gh=gh, ah=ah, bmh=bmh, vv=vv, av=av, gv=gv,
                          L=L, lp=lp, ch=ch, boff=boff):
                    pltpu.sync_copy(gh.at[t, pl.ds(c * ch, ch)], gv)

                    def addb(jb, _):
                        gv[pl.ds(jb * 16, 16)] = gv[pl.ds(jb * 16, 16)] + boff
                        return 0

                    lax.fori_loop(0, ch // 16, addb, 0)
                    pltpu.sync_copy(ah.at[t, pl.ds(c * ch, ch), :], av)
                    pltpu.async_copy(bmh.at[gv], vv, sem).wait()

                    def ent(iy, _):
                        allm = lax.iota(jnp.int32, 16) >= 0
                        for jj in range(lp // 16):
                            vals = vv[iy, pl.ds(jj * 16, 16)]
                            ad = av[iy, pl.ds(jj * 16, 16)]
                            plsc.addupdate_scatter(acc, [ad], vals, mask=allm)
                        return 0

                    lax.fori_loop(0, ch, ent, 0)
                    return 0

                lax.fori_loop(0, npad // ch, chunk, 0)
            pltpu.sync_copy(acc.at[pl.ds(0, TR * WROW)], outh.at[b, t])
            return 0

        lax.fori_loop(0, BATCH * NT // NW, task, 0)

    return body(bm1, bm3, bm5, g1, a1, g3, a3, g5, a5)


def _epi_body(kp_ref, zm_ref, out_ref):
    out_ref[0] = jnp.where(zm_ref[0], 0.0, kp_ref[0, :, 0:NDOF])


def _epilogue(kp, zero_map):
    return pl.pallas_call(
        _epi_body,
        grid=(BATCH,),
        in_specs=[pl.BlockSpec((1, NDOF, WROW), lambda b: (b, 0, 0)),
                  pl.BlockSpec((1, NDOF, NDOF), lambda b: (b, 0, 0))],
        out_specs=pl.BlockSpec((1, NDOF, NDOF), lambda b: (b, 0, 0)),
        out_shape=jax.ShapeDtypeStruct((BATCH, NDOF, NDOF), jnp.float32),
        compiler_params=pltpu.CompilerParams(vmem_limit_bytes=64 * 2 ** 20),
    )(kp, zero_map)


def _im2col(x, k):
    pad = (k - 1) // 2
    xp = jnp.pad(x, ((0, 0), (0, 0), (pad, pad), (pad, pad)))
    cols = []
    for c in range(2):
        for di in range(k):
            for dj in range(k):
                cols.append(xp[:, c, di:di + RES, dj:dj + RES].reshape(x.shape[0], -1))
    return jnp.stack(cols, axis=-1)


def kernel(x, zero_map, DBC, f, c11_w_1, c11_b_1, c12_w_1, c12_b_1, c13_w_1,
           c13_b_1, convt_w_1, c11_w_3, c11_b_3, c12_w_3, c12_b_3, c13_w_3,
           c13_b_3, convt_w_3, c11_w_5, c11_b_5, c12_w_5, c12_b_5, c13_w_5,
           c13_b_5, convt_w_5):
    raw = {1: (c11_w_1, c11_b_1, c12_w_1, c12_b_1, c13_w_1, c13_b_1, convt_w_1),
           3: (c11_w_3, c11_b_3, c12_w_3, c12_b_3, c13_w_3, c13_b_3, convt_w_3),
           5: (c11_w_5, c11_b_5, c12_w_5, c12_b_5, c13_w_5, c13_b_5, convt_w_5)}
    pats = {}
    weights = {}
    for k in KS:
        w1, b1, w2, b2, w3, b3, wm = raw[k]
        wi = w1.shape[0]
        pats[k] = _im2col(x, k)
        weights[k] = (w1.reshape(wi, 2 * k * k).T, b1.reshape(1, -1),
                      w2[:, :, 0, 0].T, b2.reshape(1, -1),
                      w3[:, :, 0, 0].T, b3.reshape(1, -1),
                      wm[:, 0, 0, :])
    bm = _run_tc(pats, weights)
    bmf = {k: bm[k].reshape(BATCH * NE * 2 * (k + 1) ** 2, VW) for k in KS}
    wl = {k: (jnp.asarray(_WL[k][0]),
              jnp.asarray(_WL[k][1].reshape(NT, _WL[k][2], LP[k])))
          for k in KS}
    shards = _sc_assemble(bmf[1], bmf[3], bmf[5],
                          wl[1][0], wl[1][1], wl[3][0], wl[3][1],
                          wl[5][0], wl[5][1])
    kp = shards.reshape(BATCH, NDOF, WROW)
    return _epilogue(kp, zero_map)

# --- scband reference (transcript-rebuilt; emitter-appended) ---
"""Pipeline reference for scband-spd-cnn-18107582120125 (READ-ONLY COPY).

The authoritative reference and input builder live on the scoring server;
editing this copy changes nothing except your own understanding.
"""

import jax, jax.numpy as jnp
import numpy as np

RES = 23
KERNELS = [1, 3, 5]
WBASE = 16
NDOF = 2 * (RES + 1) * (RES + 1)


def _build_indices():
    glob_idx = []
    for k in KERNELS:
        glob_idx.append(np.arange((RES + k) * (RES + k)).reshape(RES + k, RES + k))
    inner = []
    for i, k in enumerate(KERNELS):
        if k != 1:
            pad = (k - 1) // 2
            inner_node = glob_idx[i][pad:-pad, pad:-pad].flatten()
            inner.append(np.vstack([2 * inner_node, 2 * inner_node + 1]).T.flatten())
    loc_map = []
    for j, k in enumerate(KERNELS):
        L = 2 * (k + 1) ** 2
        loc = np.zeros((RES * RES, L), dtype=np.int64)
        for i in range(RES * RES):
            col = i % RES
            row = i // RES
            gv = glob_idx[j][row:row + k + 1, col:col + k + 1].flatten()
            loc[i] = np.vstack([2 * gv, 2 * gv + 1]).T.flatten()
        loc_map.append(loc)
    return inner, loc_map

INNER, LOC_MAP = _build_indices()


def _conv2d(x, w, b, pad):
    y = jax.lax.conv_general_dilated(x, w, (1, 1), ((pad, pad), (pad, pad)), dimension_numbers=('NCHW', 'OIHW', 'NCHW'))
    return y + b[None, :, None, None]


def _conv_block(x, p, k):
    pad = (k - 1) // 2
    c11 = jax.nn.relu(_conv2d(x, p[0], p[1], pad))
    c12 = jax.nn.relu(_conv2d(c11, p[2], p[3], 0))
    c13 = jax.nn.relu(_conv2d(c12, p[4], p[5], 0))
    return c13


def _spd_block(feat, convt_w, out_size):
    # feat: [B, C, n]; convt_w: [C, 1, 1, L] (ConvTranspose2d kernel (1,L), stride (1,L) == per-position matmul)
    Wm = convt_w[:, 0, 0, :]
    B_flat = jnp.einsum('bcn,cl->bnl', feat, Wm)
    tri = np.tril_indices(out_size)
    Bb, nn_, _ = B_flat.shape
    B_mat = jnp.zeros((Bb, nn_, out_size, out_size), dtype=B_flat.dtype)
    B_mat = B_mat.at[:, :, tri[0], tri[1]].set(B_flat)
    dg = np.arange(out_size)
    B_mat = B_mat.at[:, :, dg, dg].set(jax.nn.relu(B_mat[:, :, dg, dg]))
    return jnp.matmul(B_mat, jnp.swapaxes(B_mat, 2, 3))


def _assemble(bmat, loc, n2):
    # scatter-add every local [L,L] SPD block into the global [n2,n2] matrix (vectorized, duplicate indices accumulate)
    Bb = bmat.shape[0]
    idx = (loc[:, :, None] * n2 + loc[:, None, :]).reshape(-1)
    Kf = jnp.zeros((Bb, n2 * n2), dtype=bmat.dtype)
    Kf = Kf.at[:, idx].add(bmat.reshape(Bb, -1))
    return Kf.reshape(Bb, n2, n2)


def _forward(x, zero_map, params):
    Ks = []
    for j, k in enumerate(KERNELS):
        w_i = WBASE * 2 ** ((k - 1) // 2)
        c = _conv_block(x, params[j], k)
        feat = c.reshape(x.shape[0], 2 * w_i, RES * RES)
        out_size = 2 * (k + 1) ** 2
        bmat = _spd_block(feat, params[j][6], out_size)
        n2 = 2 * (RES + k) * (RES + k)
        Ks.append(_assemble(bmat, LOC_MAP[j], n2))
    for i, k in enumerate(KERNELS):
        if k != 1:
            ii = INNER[i - 1]
            Ks[i] = Ks[i][:, ii[:, None], ii[None, :]]
    K_grid = Ks[0]
    for i in range(1, len(KERNELS)):
        K_grid = K_grid + Ks[i]
    K_grid = jnp.where(zero_map, jnp.zeros((), dtype=K_grid.dtype), K_grid)
    return K_grid


def setup_inputs(seed: int = 0) -> dict:
    key = jax.random.key(seed)
    ks = jax.random.split(key, 32)
    B = 16
    inp = {}
    inp['x'] = jax.random.normal(ks[0], (B, 2, RES, RES), dtype=jnp.float32)
    inp['zero_map'] = jnp.zeros((B, NDOF, NDOF), dtype=bool)
    inp['DBC'] = jnp.zeros((B, NDOF, NDOF), dtype=jnp.float32)
    inp['f'] = jax.random.normal(ks[1], (B, NDOF, 1), dtype=jnp.float32)
    ki = 2
    for k in KERNELS:
        w_i = WBASE * 2 ** ((k - 1) // 2)
        out_size = 2 * (k + 1) ** 2
        L = out_size * (out_size + 1) // 2
        inp['c11_w_%d' % k] = jax.random.normal(ks[ki], (w_i, 2, k, k), dtype=jnp.float32) * 0.1; ki += 1
        inp['c11_b_%d' % k] = jnp.zeros((w_i,), dtype=jnp.float32)
        inp['c12_w_%d' % k] = jax.random.normal(ks[ki], (2 * w_i, w_i, 1, 1), dtype=jnp.float32) * 0.1; ki += 1
        inp['c12_b_%d' % k] = jnp.zeros((2 * w_i,), dtype=jnp.float32)
        inp['c13_w_%d' % k] = jax.random.normal(ks[ki], (2 * w_i, 2 * w_i, 1, 1), dtype=jnp.float32) * 0.1; ki += 1
        inp['c13_b_%d' % k] = jnp.zeros((2 * w_i,), dtype=jnp.float32)
        inp['convt_w_%d' % k] = jax.random.normal(ks[ki], (2 * w_i, 1, 1, L), dtype=jnp.float32) * 0.05; ki += 1
    return inp


def reference(x, zero_map, DBC, f,
              c11_w_1, c11_b_1, c12_w_1, c12_b_1, c13_w_1, c13_b_1, convt_w_1,
              c11_w_3, c11_b_3, c12_w_3, c12_b_3, c13_w_3, c13_b_3, convt_w_3,
              c11_w_5, c11_b_5, c12_w_5, c12_b_5, c13_w_5, c13_b_5, convt_w_5):
    # train_mode == 'stiffness': DBC and f are accepted but unused by the forward pass.
    params = [
        (c11_w_1, c11_b_1, c12_w_1, c12_b_1, c13_w_1, c13_b_1, convt_w_1),
        (c11_w_3, c11_b_3, c12_w_3, c12_b_3, c13_w_3, c13_b_3, convt_w_3),
        (c11_w_5, c11_b_5, c12_w_5, c12_b_5, c13_w_5, c13_b_5, convt_w_5),
    ]
    return _forward(x, zero_map, params)

if __name__ == "__main__":
    import jax
    _d = setup_inputs()
    print(jax.jit(kernel)(*tuple(_d.values())))

</pallas_src>

<mosaic_0001>
#map = affine_map<(d0, d1) -> (0, 0)>
#map1 = affine_map<(d0, d1) -> (0, 0, 0)>
module attributes {stable_mosaic.version = 14 : i64} {
  func.func @body(%arg0: i32, %arg1: i32, %arg2: memref<67712x128xf32, #tpu.memory_space<hbm>>, %arg3: memref<270848x128xf32, #tpu.memory_space<hbm>>, %arg4: memref<609408x128xf32, #tpu.memory_space<hbm>>, %arg5: memref<16x320xi32, #tpu.memory_space<hbm>>, %arg6: memref<16x320x16xi32, #tpu.memory_space<hbm>>, %arg7: memref<16x1088xi32, #tpu.memory_space<hbm>>, %arg8: memref<16x1088x32xi32, #tpu.memory_space<hbm>>, %arg9: memref<16x2400xi32, #tpu.memory_space<hbm>>, %arg10: memref<16x2400x80xi32, #tpu.memory_space<hbm>>, %arg11: memref<16x16x84096xf32, #tpu.memory_space<hbm>>, %arg12: memref<85264xf32, #tpu.memory_space<vmem>>, %arg13: memref<64x128xf32, #tpu.memory_space<vmem>>, %arg14: memref<64x16xi32, #tpu.memory_space<vmem>>, %arg15: memref<64xi32, #tpu.memory_space<vmem>>, %arg16: memref<64x128xf32, #tpu.memory_space<vmem>>, %arg17: memref<64x32xi32, #tpu.memory_space<vmem>>, %arg18: memref<64xi32, #tpu.memory_space<vmem>>, %arg19: memref<32x128xf32, #tpu.memory_space<vmem>>, %arg20: memref<32x80xi32, #tpu.memory_space<vmem>>, %arg21: memref<32xi32, #tpu.memory_space<vmem>>, %arg22: memref<!tpu.dma_semaphore, #tpu.memory_space<semaphore_mem>>) attributes {dimension_semantics = [#tpu.dimension_semantics<core_parallel>, #tpu.dimension_semantics<subcore_parallel>], iteration_bounds = array<i64: 2, 16>, scalar_prefetch = 0 : i64, scratch_operands = 11 : i64, tpu.core_type = #tpu.core_type<sc_vector_subcore>, window_params = [{transform_indices = #map}, {transform_indices = #map}, {transform_indices = #map}, {transform_indices = #map}, {transform_indices = #map1}, {transform_indices = #map}, {transform_indices = #map1}, {transform_indices = #map}, {transform_indices = #map1}, {transform_indices = #map1}]} {
    %mul3A = arith.constant 2 : i32
    %mul3A_0 = arith.muli %arg1, %mul3A : i32
    %add3A = arith.addi %mul3A_0, %arg0 : i32
    %scan3A = arith.constant 0 : i32
    %scan3A_1 = arith.constant 0 : i32
    %scan3A_2 = arith.constant 8 : i32
    %scan3A_3 = arith.addi %scan3A_1, %scan3A_2 : i32
    %scan3A_4 = arith.constant 1 : i32
    %scan3A_5 = scf.for %scan3A_7 = %scan3A_1 to %scan3A_3 step %scan3A_4 iter_args(%scan3A_8 = %scan3A) -> (i32)  : i32 {
      %mul3A_9 = arith.constant 8 : i32
      %mul3A_10 = arith.muli %add3A, %mul3A_9 : i32
      %add3A_11 = arith.addi %mul3A_10, %scan3A_7 : i32
      %jit3A = arith.constant 16 : i32
      %div3A = arith.divsi %add3A_11, %jit3A : i32
      %sign3A = arith.constant 0 : i32
      %sign3A_12 = arith.cmpi sgt, %add3A_11, %sign3A : i32
      %sign3A_13 = arith.extui %sign3A_12 : i1 to i32
      %sign3A_14 = arith.constant 0 : i32
      %sign3A_15 = arith.cmpi slt, %add3A_11, %sign3A_14 : i32
      %sign3A_16 = arith.extui %sign3A_15 : i1 to i32
      %sign3A_17 = arith.subi %sign3A_13, %sign3A_16 : i32
      %sign3A_18 = arith.constant 0 : i32
      %sign3A_19 = arith.cmpi sgt, %jit3A, %sign3A_18 : i32
      %sign3A_20 = arith.extui %sign3A_19 : i1 to i32
      %sign3A_21 = arith.constant 0 : i32
      %sign3A_22 = arith.cmpi slt, %jit3A, %sign3A_21 : i32
      %sign3A_23 = arith.extui %sign3A_22 : i1 to i32
      %sign3A_24 = arith.subi %sign3A_20, %sign3A_23 : i32
      %ne3A = arith.cmpi ne, %sign3A_17, %sign3A_24 : i32
      %rem3A = arith.remsi %add3A_11, %jit3A : i32
      %ne3A_25 = arith.constant 0 : i32
      %ne3A_26 = arith.cmpi ne, %rem3A, %ne3A_25 : i32
      %and3A = arith.andi %ne3A, %ne3A_26 : i1
      %sub3A = arith.constant 1 : i32
      %sub3A_27 = arith.subi %div3A, %sub3A : i32
      %select_n3A = arith.select %and3A, %sub3A_27, %div3A : i32
      %mul3A_28 = arith.constant 16 : i32
      %mul3A_29 = arith.muli %select_n3A, %mul3A_28 : i32
      %sub3A_30 = arith.subi %add3A_11, %mul3A_29 : i32
      %scan3A_31 = arith.constant 0 : i32
      %scan3A_32 = arith.constant 0 : i32
      %scan3A_33 = arith.constant 5329 : i32
      %scan3A_34 = arith.addi %scan3A_32, %scan3A_33 : i32
      %scan3A_35 = arith.constant 1 : i32
      %scan3A_36 = scf.for %scan3A_66 = %scan3A_32 to %scan3A_34 step %scan3A_35 iter_args(%scan3A_67 = %scan3A_31) -> (i32)  : i32 {
        %broadcast_in_dim3A = arith.constant 0.000000e+00 : f32
        %broadcast_in_dim3A_68 = vector.broadcast %broadcast_in_dim3A : f32 to vector<16xf32>
        %mul3A_69 = arith.constant 16 : i32
        %mul3A_70 = arith.muli %scan3A_66, %mul3A_69 : i32
        %swap3A = arith.index_cast %mul3A_70 : i32 to index
        %swap3A_71 = tpu.vector_load %arg12[%swap3A] {strides = array<i32>} : memref<85264xf32, #tpu.memory_space<vmem>>, vector<16xf32>,
        tpu.vector_store %arg12[%swap3A], %broadcast_in_dim3A_68 {strides = array<i32>} : memref<85264xf32, #tpu.memory_space<vmem>>, vector<16xf32>,
        %scan3A_72 = arith.constant 0 : i32
        scf.yield %scan3A_72 : i32
      }
      %scan3A_37 = arith.constant 5329 : i32
      %mul3A_38 = arith.constant 4232 : i32
      %mul3A_39 = arith.muli %select_n3A, %mul3A_38 : i32
      %scan3A_40 = arith.constant 0 : i32
      %scan3A_41 = arith.constant 0 : i32
      %scan3A_42 = arith.constant 5 : i32
      %scan3A_43 = arith.addi %scan3A_41, %scan3A_42 : i32
      %scan3A_44 = arith.constant 1 : i32
      %scan3A_45 = scf.for %scan3A_66 = %scan3A_41 to %scan3A_43 step %scan3A_44 iter_args(%scan3A_67 = %scan3A_40) -> (i32)  : i32 {
        %mul3A_68 = arith.constant 64 : i32
        %mul3A_69 = arith.muli %scan3A_66, %mul3A_68 : i32
        "tpu.region"() ({
          %run_scoped3A = tpu.sem_alloc : memref<!tpu.dma_semaphore, #tpu.memory_space<semaphore_mem>>
          %dma_start3A_91 = tpu.memref_slice %arg5[%sub3A_30, %mul3A_69] : memref<16x320xi32, #tpu.memory_space<hbm>> -> memref<1x64xi32, #tpu.memory_space<hbm>>
          %dma_start3A_92 = tpu.memref_squeeze %dma_start3A_91 : memref<1x64xi32, #tpu.memory_space<hbm>> -> memref<64xi32, #tpu.memory_space<hbm>>
          %dma_start3A_93 = tpu.memref_slice %arg5[%sub3A_30, %mul3A_69] : memref<16x320xi32, #tpu.memory_space<hbm>> -> memref<1x64xi32, #tpu.memory_space<hbm>>
          %dma_start3A_94 = tpu.memref_squeeze %dma_start3A_93 : memref<1x64xi32, #tpu.memory_space<hbm>> -> memref<64xi32, #tpu.memory_space<hbm>>
          tpu.enqueue_dma source(%dma_start3A_94 : memref<64xi32, #tpu.memory_space<hbm>>) target(%arg15 : memref<64xi32, #tpu.memory_space<vmem>>) target_semaphore(%run_scoped3A : memref<!tpu.dma_semaphore, #tpu.memory_space<semaphore_mem>>)
          %dma_wait3A_95 = tpu.memref_slice %arg5[%sub3A_30, %mul3A_69] : memref<16x320xi32, #tpu.memory_space<hbm>> -> memref<1x64xi32, #tpu.memory_space<hbm>>
          %dma_wait3A_96 = tpu.memref_squeeze %dma_wait3A_95 : memref<1x64xi32, #tpu.memory_space<hbm>> -> memref<64xi32, #tpu.memory_space<hbm>>
          %dma_wait3A_97 = tpu.memref_slice %arg5[%sub3A_30, %mul3A_69] : memref<16x320xi32, #tpu.memory_space<hbm>> -> memref<1x64xi32, #tpu.memory_space<hbm>>
          %dma_wait3A_98 = tpu.memref_squeeze %dma_wait3A_97 : memref<1x64xi32, #tpu.memory_space<hbm>> -> memref<64xi32, #tpu.memory_space<hbm>>
          tpu.wait_dma2 semaphore(%run_scoped3A : memref<!tpu.dma_semaphore, #tpu.memory_space<semaphore_mem>>) src(%dma_wait3A_98 : memref<64xi32, #tpu.memory_space<hbm>>) dst(%arg15 : memref<64xi32, #tpu.memory_space<vmem>>)
          tpu.yield
        }) : () -> ()
        %scan3A_70 = arith.constant 0 : i32
        %scan3A_71 = arith.constant 0 : i32
        %scan3A_72 = arith.constant 4 : i32
        %scan3A_73 = arith.addi %scan3A_71, %scan3A_72 : i32
        %scan3A_74 = arith.constant 1 : i32
        %scan3A_75 = scf.for %scan3A_91 = %scan3A_71 to %scan3A_73 step %scan3A_74 iter_args(%scan3A_92 = %scan3A_70) -> (i32)  : i32 {
          %mul3A_93 = arith.constant 16 : i32
          %mul3A_94 = arith.muli %scan3A_91, %mul3A_93 : i32
          %get3A = arith.index_cast %mul3A_94 : i32 to index
          %get3A_95 = tpu.vector_load %arg15[%get3A] {strides = array<i32>} : memref<64xi32, #tpu.memory_space<vmem>>, vector<16xi32>,
          %add3A_96 = vector.broadcast %mul3A_39 : i32 to vector<16xi32>
          %add3A_97 = arith.addi %get3A_95, %add3A_96 : vector<16xi32>
          %mul3A_98 = arith.constant 16 : i32
          %mul3A_99 = arith.muli %scan3A_91, %mul3A_98 : i32
          %swap3A = arith.index_cast %mul3A_99 : i32 to index
          %swap3A_100 = tpu.vector_load %arg15[%swap3A] {strides = array<i32>} : memref<64xi32, #tpu.memory_space<vmem>>, vector<16xi32>,
          tpu.vector_store %arg15[%swap3A], %add3A_97 {strides = array<i32>} : memref<64xi32, #tpu.memory_space<vmem>>, vector<16xi32>,
          %scan3A_101 = arith.constant 0 : i32
          scf.yield %scan3A_101 : i32
        }
        %scan3A_76 = arith.constant 4 : i32
        %mul3A_77 = arith.constant 64 : i32
        %mul3A_78 = arith.muli %scan3A_66, %mul3A_77 : i32
        "tpu.region"() ({
          %run_scoped3A = tpu.sem_alloc : memref<!tpu.dma_semaphore, #tpu.memory_space<semaphore_mem>>
          %dma_start3A_91 = arith.constant 0 : i32
          %dma_start3A_92 = tpu.memref_slice %arg6[%sub3A_30, %mul3A_78, %dma_start3A_91] : memref<16x320x16xi32, #tpu.memory_space<hbm>> -> memref<1x64x16xi32, #tpu.memory_space<hbm>>
          %dma_start3A_93 = tpu.memref_squeeze %dma_start3A_92 : memref<1x64x16xi32, #tpu.memory_space<hbm>> -> memref<64x16xi32, #tpu.memory_space<hbm>>
          %dma_start3A_94 = arith.constant 0 : i32
          %dma_start3A_95 = tpu.memref_slice %arg6[%sub3A_30, %mul3A_78, %dma_start3A_94] : memref<16x320x16xi32, #tpu.memory_space<hbm>> -> memref<1x64x16xi32, #tpu.memory_space<hbm>>
          %dma_start3A_96 = tpu.memref_squeeze %dma_start3A_95 : memref<1x64x16xi32, #tpu.memory_space<hbm>> -> memref<64x16xi32, #tpu.memory_space<hbm>>
          tpu.enqueue_dma source(%dma_start3A_96 : memref<64x16xi32, #tpu.memory_space<hbm>>) target(%arg14 : memref<64x16xi32, #tpu.memory_space<vmem>>) target_semaphore(%run_scoped3A : memref<!tpu.dma_semaphore, #tpu.memory_space<semaphore_mem>>)
          %dma_wait3A_97 = arith.constant 0 : i32
          %dma_wait3A_98 = tpu.memref_slice %arg6[%sub3A_30, %mul3A_78, %dma_wait3A_97] : memref<16x320x16xi32, #tpu.memory_space<hbm>> -> memref<1x64x16xi32, #tpu.memory_space<hbm>>
          %dma_wait3A_99 = tpu.memref_squeeze %dma_wait3A_98 : memref<1x64x16xi32, #tpu.memory_space<hbm>> -> memref<64x16xi32, #tpu.memory_space<hbm>>
          %dma_wait3A_100 = arith.constant 0 : i32
          %dma_wait3A_101 = tpu.memref_slice %arg6[%sub3A_30, %mul3A_78, %dma_wait3A_100] : memref<16x320x16xi32, #tpu.memory_space<hbm>> -> memref<1x64x16xi32, #tpu.memory_space<hbm>>
          %dma_wait3A_102 = tpu.memref_squeeze %dma_wait3A_101 : memref<1x64x16xi32, #tpu.memory_space<hbm>> -> memref<64x16xi32, #tpu.memory_space<hbm>>
          tpu.wait_dma2 semaphore(%run_scoped3A : memref<!tpu.dma_semaphore, #tpu.memory_space<semaphore_mem>>) src(%dma_wait3A_102 : memref<64x16xi32, #tpu.memory_space<hbm>>) dst(%arg14 : memref<64x16xi32, #tpu.memory_space<vmem>>)
          tpu.yield
        }) : () -> ()
        %dma_start3A = arith.constant 0 : i32
        %dma_start3A_79 = arith.constant 0 : i32
        %dma_start3A_80 = tpu.memref_slice %arg2[%dma_start3A, %dma_start3A_79] : memref<67712x128xf32, #tpu.memory_space<hbm>> -> memref<67712x128xf32, #tpu.memory_space<hbm>>
        tpu.enqueue_indirect_dma source(%dma_start3A_80 : memref<67712x128xf32, #tpu.memory_space<hbm>>) target(%arg13 : memref<64x128xf32, #tpu.memory_space<vmem>>) offsets(%arg15 : memref<64xi32, #tpu.memory_space<vmem>>) semaphore(%arg22 : memref<!tpu.dma_semaphore, #tpu.memory_space<semaphore_mem>>)
        %dma_wait3A = arith.constant 0 : i32
        %dma_wait3A_81 = arith.constant 0 : i32
        %dma_wait3A_82 = tpu.memref_slice %arg2[%dma_wait3A, %dma_wait3A_81] : memref<67712x128xf32, #tpu.memory_space<hbm>> -> memref<67712x128xf32, #tpu.memory_space<hbm>>
        tpu.wait_indirect_dma semaphore(%arg22 : memref<!tpu.dma_semaphore, #tpu.memory_space<semaphore_mem>>) src(%dma_wait3A_82 : memref<67712x128xf32, #tpu.memory_space<hbm>>) dst(%arg13 : memref<64x128xf32, #tpu.memory_space<vmem>>)
        %scan3A_83 = arith.constant 0 : i32
        %scan3A_84 = arith.constant 0 : i32
        %scan3A_85 = arith.constant 64 : i32
        %scan3A_86 = arith.addi %scan3A_84, %scan3A_85 : i32
        %scan3A_87 = arith.constant 1 : i32
        %scan3A_88 = scf.for %scan3A_91 = %scan3A_84 to %scan3A_86 step %scan3A_87 iter_args(%scan3A_92 = %scan3A_83) -> (i32)  : i32 {
          %iota3A = tpu.iota {dimensions = array<i32: 0>} : vector<16xi32>
          %ge3A = arith.constant 0 : i32
          %ge3A_93 = vector.broadcast %ge3A : i32 to vector<16xi32>
          %ge3A_94 = arith.cmpi sge, %iota3A, %ge3A_93 : vector<16xi32>
          %get3A = arith.index_cast %scan3A_91 : i32 to index
          %get3A_95 = arith.constant 0 : index
          %get3A_96 = tpu.vector_load %arg13[%get3A, %get3A_95] {strides = array<i32>} : memref<64x128xf32, #tpu.memory_space<vmem>>, vector<16xf32>,
          %get3A_97 = arith.index_cast %scan3A_91 : i32 to index
          %get3A_98 = arith.constant 0 : index
          %get3A_99 = tpu.vector_load %arg14[%get3A_97, %get3A_98] {strides = array<i32>} : memref<64x16xi32, #tpu.memory_space<vmem>>, vector<16xi32>,
          tpu.vector_store_idx %arg12[%get3A_99], %get3A_96 masked %ge3A_94 {add = true} : memref<85264xf32, #tpu.memory_space<vmem>>[vector<16xi32>], vector<16xf32>, vector<16xi1>
          %scan3A_100 = arith.constant 0 : i32
          scf.yield %scan3A_100 : i32
        }
        %scan3A_89 = arith.constant 64 : i32
        %scan3A_90 = arith.constant 0 : i32
        scf.yield %scan3A_90 : i32
      }
      %scan3A_46 = arith.constant 5 : i32
      %mul3A_47 = arith.constant 16928 : i32
      %mul3A_48 = arith.muli %select_n3A, %mul3A_47 : i32
      %scan3A_49 = arith.constant 0 : i32
      %scan3A_50 = arith.constant 0 : i32
      %scan3A_51 = arith.constant 17 : i32
      %scan3A_52 = arith.addi %scan3A_50, %scan3A_51 : i32
      %scan3A_53 = arith.constant 1 : i32
      %scan3A_54 = scf.for %scan3A_66 = %scan3A_50 to %scan3A_52 step %scan3A_53 iter_args(%scan3A_67 = %scan3A_49) -> (i32)  : i32 {
        %mul3A_68 = arith.constant 64 : i32
        %mul3A_69 = arith.muli %scan3A_66, %mul3A_68 : i32
        "tpu.region"() ({
          %run_scoped3A = tpu.sem_alloc : memref<!tpu.dma_semaphore, #tpu.memory_space<semaphore_mem>>
          %dma_start3A_91 = tpu.memref_slice %arg7[%sub3A_30, %mul3A_69] : memref<16x1088xi32, #tpu.memory_space<hbm>> -> memref<1x64xi32, #tpu.memory_space<hbm>>
          %dma_start3A_92 = tpu.memref_squeeze %dma_start3A_91 : memref<1x64xi32, #tpu.memory_space<hbm>> -> memref<64xi32, #tpu.memory_space<hbm>>
          %dma_start3A_93 = tpu.memref_slice %arg7[%sub3A_30, %mul3A_69] : memref<16x1088xi32, #tpu.memory_space<hbm>> -> memref<1x64xi32, #tpu.memory_space<hbm>>
          %dma_start3A_94 = tpu.memref_squeeze %dma_start3A_93 : memref<1x64xi32, #tpu.memory_space<hbm>> -> memref<64xi32, #tpu.memory_space<hbm>>
          tpu.enqueue_dma source(%dma_start3A_94 : memref<64xi32, #tpu.memory_space<hbm>>) target(%arg18 : memref<64xi32, #tpu.memory_space<vmem>>) target_semaphore(%run_scoped3A : memref<!tpu.dma_semaphore, #tpu.memory_space<semaphore_mem>>)
          %dma_wait3A_95 = tpu.memref_slice %arg7[%sub3A_30, %mul3A_69] : memref<16x1088xi32, #tpu.memory_space<hbm>> -> memref<1x64xi32, #tpu.memory_space<hbm>>
          %dma_wait3A_96 = tpu.memref_squeeze %dma_wait3A_95 : memref<1x64xi32, #tpu.memory_space<hbm>> -> memref<64xi32, #tpu.memory_space<hbm>>
          %dma_wait3A_97 = tpu.memref_slice %arg7[%sub3A_30, %mul3A_69] : memref<16x1088xi32, #tpu.memory_space<hbm>> -> memref<1x64xi32, #tpu.memory_space<hbm>>
          %dma_wait3A_98 = tpu.memref_squeeze %dma_wait3A_97 : memref<1x64xi32, #tpu.memory_space<hbm>> -> memref<64xi32, #tpu.memory_space<hbm>>
          tpu.wait_dma2 semaphore(%run_scoped3A : memref<!tpu.dma_semaphore, #tpu.memory_space<semaphore_mem>>) src(%dma_wait3A_98 : memref<64xi32, #tpu.memory_space<hbm>>) dst(%arg18 : memref<64xi32, #tpu.memory_space<vmem>>)
          tpu.yield
        }) : () -> ()
        %scan3A_70 = arith.constant 0 : i32
        %scan3A_71 = arith.constant 0 : i32
        %scan3A_72 = arith.constant 4 : i32
        %scan3A_73 = arith.addi %scan3A_71, %scan3A_72 : i32
        %scan3A_74 = arith.constant 1 : i32
        %scan3A_75 = scf.for %scan3A_91 = %scan3A_71 to %scan3A_73 step %scan3A_74 iter_args(%scan3A_92 = %scan3A_70) -> (i32)  : i32 {
          %mul3A_93 = arith.constant 16 : i32
          %mul3A_94 = arith.muli %scan3A_91, %mul3A_93 : i32
          %get3A = arith.index_cast %mul3A_94 : i32 to index
          %get3A_95 = tpu.vector_load %arg18[%get3A] {strides = array<i32>} : memref<64xi32, #tpu.memory_space<vmem>>, vector<16xi32>,
          %add3A_96 = vector.broadcast %mul3A_48 : i32 to vector<16xi32>
          %add3A_97 = arith.addi %get3A_95, %add3A_96 : vector<16xi32>
          %mul3A_98 = arith.constant 16 : i32
          %mul3A_99 = arith.muli %scan3A_91, %mul3A_98 : i32
          %swap3A = arith.index_cast %mul3A_99 : i32 to index
          %swap3A_100 = tpu.vector_load %arg18[%swap3A] {strides = array<i32>} : memref<64xi32, #tpu.memory_space<vmem>>, vector<16xi32>,
          tpu.vector_store %arg18[%swap3A], %add3A_97 {strides = array<i32>} : memref<64xi32, #tpu.memory_space<vmem>>, vector<16xi32>,
          %scan3A_101 = arith.constant 0 : i32
          scf.yield %scan3A_101 : i32
        }
        %scan3A_76 = arith.constant 4 : i32
        %mul3A_77 = arith.constant 64 : i32
        %mul3A_78 = arith.muli %scan3A_66, %mul3A_77 : i32
        "tpu.region"() ({
          %run_scoped3A = tpu.sem_alloc : memref<!tpu.dma_semaphore, #tpu.memory_space<semaphore_mem>>
          %dma_start3A_91 = arith.constant 0 : i32
          %dma_start3A_92 = tpu.memref_slice %arg8[%sub3A_30, %mul3A_78, %dma_start3A_91] : memref<16x1088x32xi32, #tpu.memory_space<hbm>> -> memref<1x64x32xi32, #tpu.memory_space<hbm>>
          %dma_start3A_93 = tpu.memref_squeeze %dma_start3A_92 : memref<1x64x32xi32, #tpu.memory_space<hbm>> -> memref<64x32xi32, #tpu.memory_space<hbm>>
          %dma_start3A_94 = arith.constant 0 : i32
          %dma_start3A_95 = tpu.memref_slice %arg8[%sub3A_30, %mul3A_78, %dma_start3A_94] : memref<16x1088x32xi32, #tpu.memory_space<hbm>> -> memref<1x64x32xi32, #tpu.memory_space<hbm>>
          %dma_start3A_96 = tpu.memref_squeeze %dma_start3A_95 : memref<1x64x32xi32, #tpu.memory_space<hbm>> -> memref<64x32xi32, #tpu.memory_space<hbm>>
          tpu.enqueue_dma source(%dma_start3A_96 : memref<64x32xi32, #tpu.memory_space<hbm>>) target(%arg17 : memref<64x32xi32, #tpu.memory_space<vmem>>) target_semaphore(%run_scoped3A : memref<!tpu.dma_semaphore, #tpu.memory_space<semaphore_mem>>)
          %dma_wait3A_97 = arith.constant 0 : i32
          %dma_wait3A_98 = tpu.memref_slice %arg8[%sub3A_30, %mul3A_78, %dma_wait3A_97] : memref<16x1088x32xi32, #tpu.memory_space<hbm>> -> memref<1x64x32xi32, #tpu.memory_space<hbm>>
          %dma_wait3A_99 = tpu.memref_squeeze %dma_wait3A_98 : memref<1x64x32xi32, #tpu.memory_space<hbm>> -> memref<64x32xi32, #tpu.memory_space<hbm>>
          %dma_wait3A_100 = arith.constant 0 : i32
          %dma_wait3A_101 = tpu.memref_slice %arg8[%sub3A_30, %mul3A_78, %dma_wait3A_100] : memref<16x1088x32xi32, #tpu.memory_space<hbm>> -> memref<1x64x32xi32, #tpu.memory_space<hbm>>
          %dma_wait3A_102 = tpu.memref_squeeze %dma_wait3A_101 : memref<1x64x32xi32, #tpu.memory_space<hbm>> -> memref<64x32xi32, #tpu.memory_space<hbm>>
          tpu.wait_dma2 semaphore(%run_scoped3A : memref<!tpu.dma_semaphore, #tpu.memory_space<semaphore_mem>>) src(%dma_wait3A_102 : memref<64x32xi32, #tpu.memory_space<hbm>>) dst(%arg17 : memref<64x32xi32, #tpu.memory_space<vmem>>)
          tpu.yield
        }) : () -> ()
        %dma_start3A = arith.constant 0 : i32
        %dma_start3A_79 = arith.constant 0 : i32
        %dma_start3A_80 = tpu.memref_slice %arg3[%dma_start3A, %dma_start3A_79] : memref<270848x128xf32, #tpu.memory_space<hbm>> -> memref<270848x128xf32, #tpu.memory_space<hbm>>
        tpu.enqueue_indirect_dma source(%dma_start3A_80 : memref<270848x128xf32, #tpu.memory_space<hbm>>) target(%arg16 : memref<64x128xf32, #tpu.memory_space<vmem>>) offsets(%arg18 : memref<64xi32, #tpu.memory_space<vmem>>) semaphore(%arg22 : memref<!tpu.dma_semaphore, #tpu.memory_space<semaphore_mem>>)
        %dma_wait3A = arith.constant 0 : i32
        %dma_wait3A_81 = arith.constant 0 : i32
        %dma_wait3A_82 = tpu.memref_slice %arg3[%dma_wait3A, %dma_wait3A_81] : memref<270848x128xf32, #tpu.memory_space<hbm>> -> memref<270848x128xf32, #tpu.memory_space<hbm>>
        tpu.wait_indirect_dma semaphore(%arg22 : memref<!tpu.dma_semaphore, #tpu.memory_space<semaphore_mem>>) src(%dma_wait3A_82 : memref<270848x128xf32, #tpu.memory_space<hbm>>) dst(%arg16 : memref<64x128xf32, #tpu.memory_space<vmem>>)
        %scan3A_83 = arith.constant 0 : i32
        %scan3A_84 = arith.constant 0 : i32
        %scan3A_85 = arith.constant 64 : i32
        %scan3A_86 = arith.addi %scan3A_84, %scan3A_85 : i32
        %scan3A_87 = arith.constant 1 : i32
        %scan3A_88 = scf.for %scan3A_91 = %scan3A_84 to %scan3A_86 step %scan3A_87 iter_args(%scan3A_92 = %scan3A_83) -> (i32)  : i32 {
          %iota3A = tpu.iota {dimensions = array<i32: 0>} : vector<16xi32>
          %ge3A = arith.constant 0 : i32
          %ge3A_93 = vector.broadcast %ge3A : i32 to vector<16xi32>
          %ge3A_94 = arith.cmpi sge, %iota3A, %ge3A_93 : vector<16xi32>
          %get3A = arith.index_cast %scan3A_91 : i32 to index
          %get3A_95 = arith.constant 0 : index
          %get3A_96 = tpu.vector_load %arg16[%get3A, %get3A_95] {strides = array<i32>} : memref<64x128xf32, #tpu.memory_space<vmem>>, vector<16xf32>,
          %get3A_97 = arith.index_cast %scan3A_91 : i32 to index
          %get3A_98 = arith.constant 0 : index
          %get3A_99 = tpu.vector_load %arg17[%get3A_97, %get3A_98] {strides = array<i32>} : memref<64x32xi32, #tpu.memory_space<vmem>>, vector<16xi32>,
          tpu.vector_store_idx %arg12[%get3A_99], %get3A_96 masked %ge3A_94 {add = true} : memref<85264xf32, #tpu.memory_space<vmem>>[vector<16xi32>], vector<16xf32>, vector<16xi1>
          %get3A_100 = arith.index_cast %scan3A_91 : i32 to index
          %get3A_101 = arith.constant 16 : index
          %get3A_102 = tpu.vector_load %arg16[%get3A_100, %get3A_101] {strides = array<i32>} : memref<64x128xf32, #tpu.memory_space<vmem>>, vector<16xf32>,
          %get3A_103 = arith.index_cast %scan3A_91 : i32 to index
          %get3A_104 = arith.constant 16 : index
          %get3A_105 = tpu.vector_load %arg17[%get3A_103, %get3A_104] {strides = array<i32>} : memref<64x32xi32, #tpu.memory_space<vmem>>, vector<16xi32>,
          tpu.vector_store_idx %arg12[%get3A_105], %get3A_102 masked %ge3A_94 {add = true} : memref<85264xf32, #tpu.memory_space<vmem>>[vector<16xi32>], vector<16xf32>, vector<16xi1>
          %scan3A_106 = arith.constant 0 : i32
          scf.yield %scan3A_106 : i32
        }
        %scan3A_89 = arith.constant 64 : i32
        %scan3A_90 = arith.constant 0 : i32
        scf.yield %scan3A_90 : i32
      }
      %scan3A_55 = arith.constant 17 : i32
      %mul3A_56 = arith.constant 38088 : i32
      %mul3A_57 = arith.muli %select_n3A, %mul3A_56 : i32
      %scan3A_58 = arith.constant 0 : i32
      %scan3A_59 = arith.constant 0 : i32
      %scan3A_60 = arith.constant 75 : i32
      %scan3A_61 = arith.addi %scan3A_59, %scan3A_60 : i32
      %scan3A_62 = arith.constant 1 : i32
      %scan3A_63 = scf.for %scan3A_66 = %scan3A_59 to %scan3A_61 step %scan3A_62 iter_args(%scan3A_67 = %scan3A_58) -> (i32)  : i32 {
        %mul3A_68 = arith.constant 32 : i32
        %mul3A_69 = arith.muli %scan3A_66, %mul3A_68 : i32
        "tpu.region"() ({
          %run_scoped3A = tpu.sem_alloc : memref<!tpu.dma_semaphore, #tpu.memory_space<semaphore_mem>>
          %dma_start3A_91 = tpu.memref_slice %arg9[%sub3A_30, %mul3A_69] : memref<16x2400xi32, #tpu.memory_space<hbm>> -> memref<1x32xi32, #tpu.memory_space<hbm>>
          %dma_start3A_92 = tpu.memref_squeeze %dma_start3A_91 : memref<1x32xi32, #tpu.memory_space<hbm>> -> memref<32xi32, #tpu.memory_space<hbm>>
          %dma_start3A_93 = tpu.memref_slice %arg9[%sub3A_30, %mul3A_69] : memref<16x2400xi32, #tpu.memory_space<hbm>> -> memref<1x32xi32, #tpu.memory_space<hbm>>
          %dma_start3A_94 = tpu.memref_squeeze %dma_start3A_93 : memref<1x32xi32, #tpu.memory_space<hbm>> -> memref<32xi32, #tpu.memory_space<hbm>>
          tpu.enqueue_dma source(%dma_start3A_94 : memref<32xi32, #tpu.memory_space<hbm>>) target(%arg21 : memref<32xi32, #tpu.memory_space<vmem>>) target_semaphore(%run_scoped3A : memref<!tpu.dma_semaphore, #tpu.memory_space<semaphore_mem>>)
          %dma_wait3A_95 = tpu.memref_slice %arg9[%sub3A_30, %mul3A_69] : memref<16x2400xi32, #tpu.memory_space<hbm>> -> memref<1x32xi32, #tpu.memory_space<hbm>>
          %dma_wait3A_96 = tpu.memref_squeeze %dma_wait3A_95 : memref<1x32xi32, #tpu.memory_space<hbm>> -> memref<32xi32, #tpu.memory_space<hbm>>
          %dma_wait3A_97 = tpu.memref_slice %arg9[%sub3A_30, %mul3A_69] : memref<16x2400xi32, #tpu.memory_space<hbm>> -> memref<1x32xi32, #tpu.memory_space<hbm>>
          %dma_wait3A_98 = tpu.memref_squeeze %dma_wait3A_97 : memref<1x32xi32, #tpu.memory_space<hbm>> -> memref<32xi32, #tpu.memory_space<hbm>>
          tpu.wait_dma2 semaphore(%run_scoped3A : memref<!tpu.dma_semaphore, #tpu.memory_space<semaphore_mem>>) src(%dma_wait3A_98 : memref<32xi32, #tpu.memory_space<hbm>>) dst(%arg21 : memref<32xi32, #tpu.memory_space<vmem>>)
          tpu.yield
        }) : () -> ()
        %scan3A_70 = arith.constant 0 : i32
        %scan3A_71 = arith.constant 0 : i32
        %scan3A_72 = arith.constant 2 : i32
        %scan3A_73 = arith.addi %scan3A_71, %scan3A_72 : i32
        %scan3A_74 = arith.constant 1 : i32
        %scan3A_75 = scf.for %scan3A_91 = %scan3A_71 to %scan3A_73 step %scan3A_74 iter_args(%scan3A_92 = %scan3A_70) -> (i32)  : i32 {
          %mul3A_93 = arith.constant 16 : i32
          %mul3A_94 = arith.muli %scan3A_91, %mul3A_93 : i32
          %get3A = arith.index_cast %mul3A_94 : i32 to index
          %get3A_95 = tpu.vector_load %arg21[%get3A] {strides = array<i32>} : memref<32xi32, #tpu.memory_space<vmem>>, vector<16xi32>,
          %add3A_96 = vector.broadcast %mul3A_57 : i32 to vector<16xi32>
          %add3A_97 = arith.addi %get3A_95, %add3A_96 : vector<16xi32>
          %mul3A_98 = arith.constant 16 : i32
          %mul3A_99 = arith.muli %scan3A_91, %mul3A_98 : i32
          %swap3A = arith.index_cast %mul3A_99 : i32 to index
          %swap3A_100 = tpu.vector_load %arg21[%swap3A] {strides = array<i32>} : memref<32xi32, #tpu.memory_space<vmem>>, vector<16xi32>,
          tpu.vector_store %arg21[%swap3A], %add3A_97 {strides = array<i32>} : memref<32xi32, #tpu.memory_space<vmem>>, vector<16xi32>,
          %scan3A_101 = arith.constant 0 : i32
          scf.yield %scan3A_101 : i32
        }
        %scan3A_76 = arith.constant 2 : i32
        %mul3A_77 = arith.constant 32 : i32
        %mul3A_78 = arith.muli %scan3A_66, %mul3A_77 : i32
        "tpu.region"() ({
          %run_scoped3A = tpu.sem_alloc : memref<!tpu.dma_semaphore, #tpu.memory_space<semaphore_mem>>
          %dma_start3A_91 = arith.constant 0 : i32
          %dma_start3A_92 = tpu.memref_slice %arg10[%sub3A_30, %mul3A_78, %dma_start3A_91] : memref<16x2400x80xi32, #tpu.memory_space<hbm>> -> memref<1x32x80xi32, #tpu.memory_space<hbm>>
          %dma_start3A_93 = tpu.memref_squeeze %dma_start3A_92 : memref<1x32x80xi32, #tpu.memory_space<hbm>> -> memref<32x80xi32, #tpu.memory_space<hbm>>
          %dma_start3A_94 = arith.constant 0 : i32
          %dma_start3A_95 = tpu.memref_slice %arg10[%sub3A_30, %mul3A_78, %dma_start3A_94] : memref<16x2400x80xi32, #tpu.memory_space<hbm>> -> memref<1x32x80xi32, #tpu.memory_space<hbm>>
          %dma_start3A_96 = tpu.memref_squeeze %dma_start3A_95 : memref<1x32x80xi32, #tpu.memory_space<hbm>> -> memref<32x80xi32, #tpu.memory_space<hbm>>
          tpu.enqueue_dma source(%dma_start3A_96 : memref<32x80xi32, #tpu.memory_space<hbm>>) target(%arg20 : memref<32x80xi32, #tpu.memory_space<vmem>>) target_semaphore(%run_scoped3A : memref<!tpu.dma_semaphore, #tpu.memory_space<semaphore_mem>>)
          %dma_wait3A_97 = arith.constant 0 : i32
          %dma_wait3A_98 = tpu.memref_slice %arg10[%sub3A_30, %mul3A_78, %dma_wait3A_97] : memref<16x2400x80xi32, #tpu.memory_space<hbm>> -> memref<1x32x80xi32, #tpu.memory_space<hbm>>
          %dma_wait3A_99 = tpu.memref_squeeze %dma_wait3A_98 : memref<1x32x80xi32, #tpu.memory_space<hbm>> -> memref<32x80xi32, #tpu.memory_space<hbm>>
          %dma_wait3A_100 = arith.constant 0 : i32
          %dma_wait3A_101 = tpu.memref_slice %arg10[%sub3A_30, %mul3A_78, %dma_wait3A_100] : memref<16x2400x80xi32, #tpu.memory_space<hbm>> -> memref<1x32x80xi32, #tpu.memory_space<hbm>>
          %dma_wait3A_102 = tpu.memref_squeeze %dma_wait3A_101 : memref<1x32x80xi32, #tpu.memory_space<hbm>> -> memref<32x80xi32, #tpu.memory_space<hbm>>
          tpu.wait_dma2 semaphore(%run_scoped3A : memref<!tpu.dma_semaphore, #tpu.memory_space<semaphore_mem>>) src(%dma_wait3A_102 : memref<32x80xi32, #tpu.memory_space<hbm>>) dst(%arg20 : memref<32x80xi32, #tpu.memory_space<vmem>>)
          tpu.yield
        }) : () -> ()
        %dma_start3A = arith.constant 0 : i32
        %dma_start3A_79 = arith.constant 0 : i32
        %dma_start3A_80 = tpu.memref_slice %arg4[%dma_start3A, %dma_start3A_79] : memref<609408x128xf32, #tpu.memory_space<hbm>> -> memref<609408x128xf32, #tpu.memory_space<hbm>>
        tpu.enqueue_indirect_dma source(%dma_start3A_80 : memref<609408x128xf32, #tpu.memory_space<hbm>>) target(%arg19 : memref<32x128xf32, #tpu.memory_space<vmem>>) offsets(%arg21 : memref<32xi32, #tpu.memory_space<vmem>>) semaphore(%arg22 : memref<!tpu.dma_semaphore, #tpu.memory_space<semaphore_mem>>)
        %dma_wait3A = arith.constant 0 : i32
        %dma_wait3A_81 = arith.constant 0 : i32
        %dma_wait3A_82 = tpu.memref_slice %arg4[%dma_wait3A, %dma_wait3A_81] : memref<609408x128xf32, #tpu.memory_space<hbm>> -> memref<609408x128xf32, #tpu.memory_space<hbm>>
        tpu.wait_indirect_dma semaphore(%arg22 : memref<!tpu.dma_semaphore, #tpu.memory_space<semaphore_mem>>) src(%dma_wait3A_82 : memref<609408x128xf32, #tpu.memory_space<hbm>>) dst(%arg19 : memref<32x128xf32, #tpu.memory_space<vmem>>)
        %scan3A_83 = arith.constant 0 : i32
        %scan3A_84 = arith.constant 0 : i32
        %scan3A_85 = arith.constant 32 : i32
        %scan3A_86 = arith.addi %scan3A_84, %scan3A_85 : i32
        %scan3A_87 = arith.constant 1 : i32
        %scan3A_88 = scf.for %scan3A_91 = %scan3A_84 to %scan3A_86 step %scan3A_87 iter_args(%scan3A_92 = %scan3A_83) -> (i32)  : i32 {
          %iota3A = tpu.iota {dimensions = array<i32: 0>} : vector<16xi32>
          %ge3A = arith.constant 0 : i32
          %ge3A_93 = vector.broadcast %ge3A : i32 to vector<16xi32>
          %ge3A_94 = arith.cmpi sge, %iota3A, %ge3A_93 : vector<16xi32>
          %get3A = arith.index_cast %scan3A_91 : i32 to index
          %get3A_95 = arith.constant 0 : index
          %get3A_96 = tpu.vector_load %arg19[%get3A, %get3A_95] {strides = array<i32>} : memref<32x128xf32, #tpu.memory_space<vmem>>, vector<16xf32>,
          %get3A_97 = arith.index_cast %scan3A_91 : i32 to index
          %get3A_98 = arith.constant 0 : index
          %get3A_99 = tpu.vector_load %arg20[%get3A_97, %get3A_98] {strides = array<i32>} : memref<32x80xi32, #tpu.memory_space<vmem>>, vector<16xi32>,
          tpu.vector_store_idx %arg12[%get3A_99], %get3A_96 masked %ge3A_94 {add = true} : memref<85264xf32, #tpu.memory_space<vmem>>[vector<16xi32>], vector<16xf32>, vector<16xi1>
          %get3A_100 = arith.index_cast %scan3A_91 : i32 to index
          %get3A_101 = arith.constant 16 : index
          %get3A_102 = tpu.vector_load %arg19[%get3A_100, %get3A_101] {strides = array<i32>} : memref<32x128xf32, #tpu.memory_space<vmem>>, vector<16xf32>,
          %get3A_103 = arith.index_cast %scan3A_91 : i32 to index
          %get3A_104 = arith.constant 16 : index
          %get3A_105 = tpu.vector_load %arg20[%get3A_103, %get3A_104] {strides = array<i32>} : memref<32x80xi32, #tpu.memory_space<vmem>>, vector<16xi32>,
          tpu.vector_store_idx %arg12[%get3A_105], %get3A_102 masked %ge3A_94 {add = true} : memref<85264xf32, #tpu.memory_space<vmem>>[vector<16xi32>], vector<16xf32>, vector<16xi1>
          %get3A_106 = arith.index_cast %scan3A_91 : i32 to index
          %get3A_107 = arith.constant 32 : index
          %get3A_108 = tpu.vector_load %arg19[%get3A_106, %get3A_107] {strides = array<i32>} : memref<32x128xf32, #tpu.memory_space<vmem>>, vector<16xf32>,
          %get3A_109 = arith.index_cast %scan3A_91 : i32 to index
          %get3A_110 = arith.constant 32 : index
          %get3A_111 = tpu.vector_load %arg20[%get3A_109, %get3A_110] {strides = array<i32>} : memref<32x80xi32, #tpu.memory_space<vmem>>, vector<16xi32>,
          tpu.vector_store_idx %arg12[%get3A_111], %get3A_108 masked %ge3A_94 {add = true} : memref<85264xf32, #tpu.memory_space<vmem>>[vector<16xi32>], vector<16xf32>, vector<16xi1>
          %get3A_112 = arith.index_cast %scan3A_91 : i32 to index
          %get3A_113 = arith.constant 48 : index
          %get3A_114 = tpu.vector_load %arg19[%get3A_112, %get3A_113] {strides = array<i32>} : memref<32x128xf32, #tpu.memory_space<vmem>>, vector<16xf32>,
          %get3A_115 = arith.index_cast %scan3A_91 : i32 to index
          %get3A_116 = arith.constant 48 : index
          %get3A_117 = tpu.vector_load %arg20[%get3A_115, %get3A_116] {strides = array<i32>} : memref<32x80xi32, #tpu.memory_space<vmem>>, vector<16xi32>,
          tpu.vector_store_idx %arg12[%get3A_117], %get3A_114 masked %ge3A_94 {add = true} : memref<85264xf32, #tpu.memory_space<vmem>>[vector<16xi32>], vector<16xf32>, vector<16xi1>
          %get3A_118 = arith.index_cast %scan3A_91 : i32 to index
          %get3A_119 = arith.constant 64 : index
          %get3A_120 = tpu.vector_load %arg19[%get3A_118, %get3A_119] {strides = array<i32>} : memref<32x128xf32, #tpu.memory_space<vmem>>, vector<16xf32>,
          %get3A_121 = arith.index_cast %scan3A_91 : i32 to index
          %get3A_122 = arith.constant 64 : index
          %get3A_123 = tpu.vector_load %arg20[%get3A_121, %get3A_122] {strides = array<i32>} : memref<32x80xi32, #tpu.memory_space<vmem>>, vector<16xi32>,
          tpu.vector_store_idx %arg12[%get3A_123], %get3A_120 masked %ge3A_94 {add = true} : memref<85264xf32, #tpu.memory_space<vmem>>[vector<16xi32>], vector<16xf32>, vector<16xi1>
          %scan3A_124 = arith.constant 0 : i32
          scf.yield %scan3A_124 : i32
        }
        %scan3A_89 = arith.constant 32 : i32
        %scan3A_90 = arith.constant 0 : i32
        scf.yield %scan3A_90 : i32
      }
      %scan3A_64 = arith.constant 75 : i32
      "tpu.region"() ({
        %run_scoped3A = tpu.sem_alloc : memref<!tpu.dma_semaphore, #tpu.memory_space<semaphore_mem>>
        %dma_start3A = arith.constant 0 : i32
        %dma_start3A_66 = tpu.memref_slice %arg12[%dma_start3A] : memref<85264xf32, #tpu.memory_space<vmem>> -> memref<84096xf32, #tpu.memory_space<vmem>>
        %dma_start3A_67 = arith.constant 0 : i32
        %dma_start3A_68 = tpu.memref_slice %arg11[%select_n3A, %sub3A_30, %dma_start3A_67] : memref<16x16x84096xf32, #tpu.memory_space<hbm>> -> memref<1x1x84096xf32, #tpu.memory_space<hbm>>
        %dma_start3A_69 = tpu.memref_squeeze %dma_start3A_68 : memref<1x1x84096xf32, #tpu.memory_space<hbm>> -> memref<84096xf32, #tpu.memory_space<hbm>>
        %dma_start3A_70 = arith.constant 0 : i32
        %dma_start3A_71 = tpu.memref_slice %arg11[%select_n3A, %sub3A_30, %dma_start3A_70] : memref<16x16x84096xf32, #tpu.memory_space<hbm>> -> memref<1x1x84096xf32, #tpu.memory_space<hbm>>
        %dma_start3A_72 = tpu.memref_squeeze %dma_start3A_71 : memref<1x1x84096xf32, #tpu.memory_space<hbm>> -> memref<84096xf32, #tpu.memory_space<hbm>>
        %dma_start3A_73 = arith.constant 0 : i32
        %dma_start3A_74 = tpu.memref_slice %arg12[%dma_start3A_73] : memref<85264xf32, #tpu.memory_space<vmem>> -> memref<84096xf32, #tpu.memory_space<vmem>>
        tpu.enqueue_dma source(%dma_start3A_74 : memref<84096xf32, #tpu.memory_space<vmem>>) target(%dma_start3A_72 : memref<84096xf32, #tpu.memory_space<hbm>>) target_semaphore(%run_scoped3A : memref<!tpu.dma_semaphore, #tpu.memory_space<semaphore_mem>>)
        %dma_wait3A = arith.constant 0 : i32
        %dma_wait3A_75 = tpu.memref_slice %arg12[%dma_wait3A] : memref<85264xf32, #tpu.memory_space<vmem>> -> memref<84096xf32, #tpu.memory_space<vmem>>
        %dma_wait3A_76 = arith.constant 0 : i32
        %dma_wait3A_77 = tpu.memref_slice %arg11[%select_n3A, %sub3A_30, %dma_wait3A_76] : memref<16x16x84096xf32, #tpu.memory_space<hbm>> -> memref<1x1x84096xf32, #tpu.memory_space<hbm>>
        %dma_wait3A_78 = tpu.memref_squeeze %dma_wait3A_77 : memref<1x1x84096xf32, #tpu.memory_space<hbm>> -> memref<84096xf32, #tpu.memory_space<hbm>>
        %dma_wait3A_79 = arith.constant 0 : i32
        %dma_wait3A_80 = tpu.memref_slice %arg11[%select_n3A, %sub3A_30, %dma_wait3A_79] : memref<16x16x84096xf32, #tpu.memory_space<hbm>> -> memref<1x1x84096xf32, #tpu.memory_space<hbm>>
        %dma_wait3A_81 = tpu.memref_squeeze %dma_wait3A_80 : memref<1x1x84096xf32, #tpu.memory_space<hbm>> -> memref<84096xf32, #tpu.memory_space<hbm>>
        %dma_wait3A_82 = arith.constant 0 : i32
        %dma_wait3A_83 = tpu.memref_slice %arg12[%dma_wait3A_82] : memref<85264xf32, #tpu.memory_space<vmem>> -> memref<84096xf32, #tpu.memory_space<vmem>>
        tpu.wait_dma2 semaphore(%run_scoped3A : memref<!tpu.dma_semaphore, #tpu.memory_space<semaphore_mem>>) src(%dma_wait3A_83 : memref<84096xf32, #tpu.memory_space<vmem>>) dst(%dma_wait3A_81 : memref<84096xf32, #tpu.memory_space<hbm>>)
        tpu.yield
      }) : () -> ()
      %scan3A_65 = arith.constant 0 : i32
      scf.yield %scan3A_65 : i32
    }
    %scan3A_6 = arith.constant 8 : i32
    return
  }
}

module attributes {stable_mosaic.version = 14 : i64} {
  func.func @_tc_body(%arg0: i32, %arg1: i32, %arg2: memref<1x529x2xf32, #tpu.memory_space<vmem>>, %arg3: memref<2x16xf32, #tpu.memory_space<vmem>>, %arg4: memref<1x16xf32, #tpu.memory_space<vmem>>, %arg5: memref<16x32xf32, #tpu.memory_space<vmem>>, %arg6: memref<1x32xf32, #tpu.memory_space<vmem>>, %arg7: memref<32x32xf32, #tpu.memory_space<vmem>>, %arg8: memref<1x32xf32, #tpu.memory_space<vmem>>, %arg9: memref<32x36xf32, #tpu.memory_space<vmem>>, %arg10: memref<1x36xf32, #tpu.memory_space<vmem>>, %arg11: memref<1x529x18xf32, #tpu.memory_space<vmem>>, %arg12: memref<18x32xf32, #tpu.memory_space<vmem>>, %arg13: memref<1x32xf32, #tpu.memory_space<vmem>>, %arg14: memref<32x64xf32, #tpu.memory_space<vmem>>, %arg15: memref<1x64xf32, #tpu.memory_space<vmem>>, %arg16: memref<64x64xf32, #tpu.memory_space<vmem>>, %arg17: memref<1x64xf32, #tpu.memory_space<vmem>>, %arg18: memref<64x528xf32, #tpu.memory_space<vmem>>, %arg19: memref<1x528xf32, #tpu.memory_space<vmem>>, %arg20: memref<1x529x50xf32, #tpu.memory_space<vmem>>, %arg21: memref<50x64xf32, #tpu.memory_space<vmem>>, %arg22: memref<1x64xf32, #tpu.memory_space<vmem>>, %arg23: memref<64x128xf32, #tpu.memory_space<vmem>>, %arg24: memref<1x128xf32, #tpu.memory_space<vmem>>, %arg25: memref<128x128xf32, #tpu.memory_space<vmem>>, %arg26: memref<1x128xf32, #tpu.memory_space<vmem>>, %arg27: memref<128x2628xf32, #tpu.memory_space<vmem>>, %arg28: memref<1x2628xf32, #tpu.memory_space<vmem>>, %arg29: memref<1x184x128xf32, #tpu.memory_space<vmem>>, %arg30: memref<1x736x128xf32, #tpu.memory_space<vmem>>, %arg31: memref<1x1656x128xf32, #tpu.memory_space<vmem>>, %arg32: memref<529x8x8xf32, #tpu.memory_space<vmem>>, %arg33: memref<529x32x32xf32, #tpu.memory_space<vmem>>, %arg34: memref<529x72x72xf32, #tpu.memory_space<vmem>>) attributes {dimension_semantics = [#tpu.dimension_semantics<arbitrary>, #tpu.dimension_semantics<arbitrary>], iteration_bounds = array<i64: 16, 23>, scalar_prefetch = 0 : i64, scratch_operands = 3 : i64, tpu.core_type = #tpu.core_type<tc>, window_params = [{transform_indices = @transform_0, window_bounds = array<i64: 1, 529, 2>}, {pipeline_mode = #tpu.pipeline_mode<synchronous>, transform_indices = @transform_1, window_bounds = array<i64: 2, 16>}, {pipeline_mode = #tpu.pipeline_mode<synchronous>, transform_indices = @transform_2, window_bounds = array<i64: 1, 16>}, {pipeline_mode = #tpu.pipeline_mode<synchronous>, transform_indices = @transform_3, window_bounds = array<i64: 16, 32>}, {pipeline_mode = #tpu.pipeline_mode<synchronous>, transform_indices = @transform_4, window_bounds = array<i64: 1, 32>}, {pipeline_mode = #tpu.pipeline_mode<synchronous>, transform_indices = @transform_5, window_bounds = array<i64: 32, 32>}, {pipeline_mode = #tpu.pipeline_mode<synchronous>, transform_indices = @transform_6, window_bounds = array<i64: 1, 32>}, {pipeline_mode = #tpu.pipeline_mode<synchronous>, transform_indices = @transform_7, window_bounds = array<i64: 32, 36>}, {pipeline_mode = #tpu.pipeline_mode<synchronous>, transform_indices = @transform_8, window_bounds = array<i64: 1, 36>}, {transform_indices = @transform_9, window_bounds = array<i64: 1, 529, 18>}, {pipeline_mode = #tpu.pipeline_mode<synchronous>, transform_indices = @transform_10, window_bounds = array<i64: 18, 32>}, {pipeline_mode = #tpu.pipeline_mode<synchronous>, transform_indices = @transform_11, window_bounds = array<i64: 1, 32>}, {pipeline_mode = #tpu.pipeline_mode<synchronous>, transform_indices = @transform_12, window_bounds = array<i64: 32, 64>}, {pipeline_mode = #tpu.pipeline_mode<synchronous>, transform_indices = @transform_13, window_bounds = array<i64: 1, 64>}, {pipeline_mode = #tpu.pipeline_mode<synchronous>, transform_indices = @transform_14, window_bounds = array<i64: 64, 64>}, {pipeline_mode = #tpu.pipeline_mode<synchronous>, transform_indices = @transform_15, window_bounds = array<i64: 1, 64>}, {pipeline_mode = #tpu.pipeline_mode<synchronous>, transform_indices = @transform_16, window_bounds = array<i64: 64, 528>}, {pipeline_mode = #tpu.pipeline_mode<synchronous>, transform_indices = @transform_17, window_bounds = array<i64: 1, 528>}, {transform_indices = @transform_18, window_bounds = array<i64: 1, 529, 50>}, {pipeline_mode = #tpu.pipeline_mode<synchronous>, transform_indices = @transform_19, window_bounds = array<i64: 50, 64>}, {pipeline_mode = #tpu.pipeline_mode<synchronous>, transform_indices = @transform_20, window_bounds = array<i64: 1, 64>}, {pipeline_mode = #tpu.pipeline_mode<synchronous>, transform_indices = @transform_21, window_bounds = array<i64: 64, 128>}, {pipeline_mode = #tpu.pipeline_mode<synchronous>, transform_indices = @transform_22, window_bounds = array<i64: 1, 128>}, {pipeline_mode = #tpu.pipeline_mode<synchronous>, transform_indices = @transform_23, window_bounds = array<i64: 128, 128>}, {pipeline_mode = #tpu.pipeline_mode<synchronous>, transform_indices = @transform_24, window_bounds = array<i64: 1, 128>}, {pipeline_mode = #tpu.pipeline_mode<synchronous>, transform_indices = @transform_25, window_bounds = array<i64: 128, 2628>}, {pipeline_mode = #tpu.pipeline_mode<synchronous>, transform_indices = @transform_26, window_bounds = array<i64: 1, 2628>}, {transform_indices = @transform_27, window_bounds = array<i64: 1, 184, 128>}, {transform_indices = @transform_28, window_bounds = array<i64: 1, 736, 128>}, {transform_indices = @transform_29, window_bounds = array<i64: 1, 1656, 128>}]} {
    %eq3A = arith.constant 0 : i32
    %eq3A_0 = arith.cmpi eq, %arg1, %eq3A : i32
    %convert_element_type3A = arith.extui %eq3A_0 : i1 to i32
    %cond3A = arith.constant 0 : i32
    %cond3A_1 = arith.cmpi ne, %convert_element_type3A, %cond3A : i32
    scf.if %cond3A_1 {
      %get3A = arith.constant 0 : index
      %get3A_48 = arith.constant 0 : index
      %get3A_49 = arith.constant 0 : index
      %get3A_50 = vector.load %arg2[%get3A, %get3A_48, %get3A_49] : memref<1x529x2xf32, #tpu.memory_space<vmem>>, vector<1x529x2xf32>
      %get3A_51 = vector.shape_cast %get3A_50 : vector<1x529x2xf32> to vector<529x2xf32>
      %get3A_52 = arith.constant 0 : index
      %get3A_53 = arith.constant 0 : index
      %get3A_54 = vector.load %arg3[%get3A_52, %get3A_53] : memref<2x16xf32, #tpu.memory_space<vmem>>, vector<2x16xf32>
      %dot_general3A = arith.constant dense<0.000000e+00> : vector<529x16xf32>
      %dot_general3A_55 = tpu.matmul %get3A_51, %get3A_54, %dot_general3A {dimension_numbers = #tpu.dot_dimension_numbers<[1], [0], [0], [1], [0, 0, 1, 1], [], []>, transpose_lhs_hint = false} : vector<529x2xf32>, vector<2x16xf32>, vector<529x16xf32> -> vector<529x16xf32>
      %get3A_56 = arith.constant 0 : index
      %get3A_57 = arith.constant 0 : index
      %get3A_58 = vector.load %arg4[%get3A_56, %get3A_57] : memref<1x16xf32, #tpu.memory_space<vmem>>, vector<1x16xf32>
      %add3A = vector.broadcast %get3A_58 : vector<1x16xf32> to vector<529x16xf32>
      %add3A_59 = arith.addf %dot_general3A_55, %add3A : vector<529x16xf32>
      %max3A = arith.constant 0.000000e+00 : f32
      %max3A_60 = vector.broadcast %max3A : f32 to vector<529x16xf32>
      %max3A_61 = arith.maximumf %add3A_59, %max3A_60 : vector<529x16xf32>
      %get3A_62 = arith.constant 0 : index
      %get3A_63 = arith.constant 0 : index
      %get3A_64 = vector.load %arg5[%get3A_62, %get3A_63] : memref<16x32xf32, #tpu.memory_space<vmem>>, vector<16x32xf32>
      %dot_general3A_65 = arith.constant dense<0.000000e+00> : vector<529x32xf32>
      %dot_general3A_66 = tpu.matmul %max3A_61, %get3A_64, %dot_general3A_65 {dimension_numbers = #tpu.dot_dimension_numbers<[1], [0], [0], [1], [0, 0, 1, 1], [], []>, transpose_lhs_hint = false} : vector<529x16xf32>, vector<16x32xf32>, vector<529x32xf32> -> vector<529x32xf32>
      %get3A_67 = arith.constant 0 : index
      %get3A_68 = arith.constant 0 : index
      %get3A_69 = vector.load %arg6[%get3A_67, %get3A_68] : memref<1x32xf32, #tpu.memory_space<vmem>>, vector<1x32xf32>
      %add3A_70 = vector.broadcast %get3A_69 : vector<1x32xf32> to vector<529x32xf32>
      %add3A_71 = arith.addf %dot_general3A_66, %add3A_70 : vector<529x32xf32>
      %max3A_72 = arith.constant 0.000000e+00 : f32
      %max3A_73 = vector.broadcast %max3A_72 : f32 to vector<529x32xf32>
      %max3A_74 = arith.maximumf %add3A_71, %max3A_73 : vector<529x32xf32>
      %get3A_75 = arith.constant 0 : index
      %get3A_76 = arith.constant 0 : index
      %get3A_77 = vector.load %arg7[%get3A_75, %get3A_76] : memref<32x32xf32, #tpu.memory_space<vmem>>, vector<32x32xf32>
      %dot_general3A_78 = arith.constant dense<0.000000e+00> : vector<529x32xf32>
      %dot_general3A_79 = tpu.matmul %max3A_74, %get3A_77, %dot_general3A_78 {dimension_numbers = #tpu.dot_dimension_numbers<[1], [0], [0], [1], [0, 0, 1, 1], [], []>, transpose_lhs_hint = false} : vector<529x32xf32>, vector<32x32xf32>, vector<529x32xf32> -> vector<529x32xf32>
      %get3A_80 = arith.constant 0 : index
      %get3A_81 = arith.constant 0 : index
      %get3A_82 = vector.load %arg8[%get3A_80, %get3A_81] : memref<1x32xf32, #tpu.memory_space<vmem>>, vector<1x32xf32>
      %add3A_83 = vector.broadcast %get3A_82 : vector<1x32xf32> to vector<529x32xf32>
      %add3A_84 = arith.addf %dot_general3A_79, %add3A_83 : vector<529x32xf32>
      %max3A_85 = arith.constant 0.000000e+00 : f32
      %max3A_86 = vector.broadcast %max3A_85 : f32 to vector<529x32xf32>
      %max3A_87 = arith.maximumf %add3A_84, %max3A_86 : vector<529x32xf32>
      %get3A_88 = arith.constant 0 : index
      %get3A_89 = arith.constant 0 : index
      %get3A_90 = vector.load %arg9[%get3A_88, %get3A_89] : memref<32x36xf32, #tpu.memory_space<vmem>>, vector<32x36xf32>
      %dot_general3A_91 = arith.constant dense<0.000000e+00> : vector<529x36xf32>
      %dot_general3A_92 = tpu.matmul %max3A_87, %get3A_90, %dot_general3A_91 {dimension_numbers = #tpu.dot_dimension_numbers<[1], [0], [0], [1], [0, 0, 1, 1], [], []>, transpose_lhs_hint = false} : vector<529x32xf32>, vector<32x36xf32>, vector<529x36xf32> -> vector<529x36xf32>
      %get3A_93 = arith.constant 0 : index
      %get3A_94 = arith.constant 0 : index
      %get3A_95 = vector.load %arg10[%get3A_93, %get3A_94] : memref<1x36xf32, #tpu.memory_space<vmem>>, vector<1x36xf32>
      %gt3A = arith.constant 5.000000e-01 : f32
      %gt3A_96 = vector.broadcast %gt3A : f32 to vector<1x36xf32>
      %gt3A_97 = arith.cmpf ogt, %get3A_95, %gt3A_96 : vector<1x36xf32>
      %max3A_98 = arith.constant 0.000000e+00 : f32
      %max3A_99 = vector.broadcast %max3A_98 : f32 to vector<529x36xf32>
      %max3A_100 = arith.maximumf %dot_general3A_92, %max3A_99 : vector<529x36xf32>
      %broadcast_in_dim3A_101 = vector.shape_cast %gt3A_97 : vector<1x36xi1> to vector<1x36xi1>
      %broadcast_in_dim3A_102 = vector.broadcast %broadcast_in_dim3A_101 : vector<1x36xi1> to vector<529x36xi1>
      %select_n3A = arith.select %broadcast_in_dim3A_102, %max3A_100, %dot_general3A_92 : vector<529x36xi1>, vector<529x36xf32>
      %broadcast_in_dim3A_103 = arith.constant 0.000000e+00 : f32
      %broadcast_in_dim3A_104 = vector.broadcast %broadcast_in_dim3A_103 : f32 to vector<529x8x8xf32>
      %swap3A_105 = arith.constant 0 : index
      %swap3A_106 = arith.constant 0 : index
      %swap3A_107 = arith.constant 0 : index
      %swap3A_108 = vector.load %arg32[%swap3A_105, %swap3A_106, %swap3A_107] : memref<529x8x8xf32, #tpu.memory_space<vmem>>, vector<529x8x8xf32>
      tpu.vector_store %arg32[%swap3A_105, %swap3A_106, %swap3A_107], %broadcast_in_dim3A_104 {strides = array<i32>} : memref<529x8x8xf32, #tpu.memory_space<vmem>>, vector<529x8x8xf32>,
      %slice3A = vector.extract_strided_slice %select_n3A {offsets = [0, 0], sizes = [529, 1], strides = [1, 1]} : vector<529x36xf32> to vector<529x1xf32>
      %swap3A_109 = arith.constant 0 : index
      %swap3A_110 = arith.constant 0 : index
      %swap3A_111 = arith.constant 0 : index
      %swap3A_112 = vector.load %arg32[%swap3A_109, %swap3A_110, %swap3A_111] : memref<529x8x8xf32, #tpu.memory_space<vmem>>, vector<529x1x1xf32>
      %swap3A_113 = vector.shape_cast %swap3A_112 : vector<529x1x1xf32> to vector<529x1xf32>
      %swap3A_114 = vector.shape_cast %slice3A : vector<529x1xf32> to vector<529x1x1xf32>
      tpu.vector_store %arg32[%swap3A_109, %swap3A_110, %swap3A_111], %swap3A_114 {strides = array<i32>} : memref<529x8x8xf32, #tpu.memory_space<vmem>>, vector<529x1x1xf32>,
      %slice3A_115 = vector.extract_strided_slice %select_n3A {offsets = [0, 1], sizes = [529, 2], strides = [1, 1]} : vector<529x36xf32> to vector<529x2xf32>
      %swap3A_116 = arith.constant 0 : index
      %swap3A_117 = arith.constant 1 : index
      %swap3A_118 = arith.constant 0 : index
      %swap3A_119 = vector.load %arg32[%swap3A_116, %swap3A_117, %swap3A_118] : memref<529x8x8xf32, #tpu.memory_space<vmem>>, vector<529x1x2xf32>
      %swap3A_120 = vector.shape_cast %swap3A_119 : vector<529x1x2xf32> to vector<529x2xf32>
      %swap3A_121 = vector.shape_cast %slice3A_115 : vector<529x2xf32> to vector<529x1x2xf32>
      tpu.vector_store %arg32[%swap3A_116, %swap3A_117, %swap3A_118], %swap3A_121 {strides = array<i32>} : memref<529x8x8xf32, #tpu.memory_space<vmem>>, vector<529x1x2xf32>,
      %slice3A_122 = vector.extract_strided_slice %select_n3A {offsets = [0, 3], sizes = [529, 3], strides = [1, 1]} : vector<529x36xf32> to vector<529x3xf32>
      %swap3A_123 = arith.constant 0 : index
      %swap3A_124 = arith.constant 2 : index
      %swap3A_125 = arith.constant 0 : index
      %swap3A_126 = vector.load %arg32[%swap3A_123, %swap3A_124, %swap3A_125] : memref<529x8x8xf32, #tpu.memory_space<vmem>>, vector<529x1x3xf32>
      %swap3A_127 = vector.shape_cast %swap3A_126 : vector<529x1x3xf32> to vector<529x3xf32>
      %swap3A_128 = vector.shape_cast %slice3A_122 : vector<529x3xf32> to vector<529x1x3xf32>
      tpu.vector_store %arg32[%swap3A_123, %swap3A_124, %swap3A_125], %swap3A_128 {strides = array<i32>} : memref<529x8x8xf32, #tpu.memory_space<vmem>>, vector<529x1x3xf32>,
      %slice3A_129 = vector.extract_strided_slice %select_n3A {offsets = [0, 6], sizes = [529, 4], strides = [1, 1]} : vector<529x36xf32> to vector<529x4xf32>
      %swap3A_130 = arith.constant 0 : index
      %swap3A_131 = arith.constant 3 : index
      %swap3A_132 = arith.constant 0 : index
      %swap3A_133 = vector.load %arg32[%swap3A_130, %swap3A_131, %swap3A_132] : memref<529x8x8xf32, #tpu.memory_space<vmem>>, vector<529x1x4xf32>
      %swap3A_134 = vector.shape_cast %swap3A_133 : vector<529x1x4xf32> to vector<529x4xf32>
      %swap3A_135 = vector.shape_cast %slice3A_129 : vector<529x4xf32> to vector<529x1x4xf32>
      tpu.vector_store %arg32[%swap3A_130, %swap3A_131, %swap3A_132], %swap3A_135 {strides = array<i32>} : memref<529x8x8xf32, #tpu.memory_space<vmem>>, vector<529x1x4xf32>,
      %slice3A_136 = vector.extract_strided_slice %select_n3A {offsets = [0, 10], sizes = [529, 5], strides = [1, 1]} : vector<529x36xf32> to vector<529x5xf32>
      %swap3A_137 = arith.constant 0 : index
      %swap3A_138 = arith.constant 4 : index
      %swap3A_139 = arith.constant 0 : index
      %swap3A_140 = vector.load %arg32[%swap3A_137, %swap3A_138, %swap3A_139] : memref<529x8x8xf32, #tpu.memory_space<vmem>>, vector<529x1x5xf32>
      %swap3A_141 = vector.shape_cast %swap3A_140 : vector<529x1x5xf32> to vector<529x5xf32>
      %swap3A_142 = vector.shape_cast %slice3A_136 : vector<529x5xf32> to vector<529x1x5xf32>
      tpu.vector_store %arg32[%swap3A_137, %swap3A_138, %swap3A_139], %swap3A_142 {strides = array<i32>} : memref<529x8x8xf32, #tpu.memory_space<vmem>>, vector<529x1x5xf32>,
      %slice3A_143 = vector.extract_strided_slice %select_n3A {offsets = [0, 15], sizes = [529, 6], strides = [1, 1]} : vector<529x36xf32> to vector<529x6xf32>
      %swap3A_144 = arith.constant 0 : index
      %swap3A_145 = arith.constant 5 : index
      %swap3A_146 = arith.constant 0 : index
      %swap3A_147 = vector.load %arg32[%swap3A_144, %swap3A_145, %swap3A_146] : memref<529x8x8xf32, #tpu.memory_space<vmem>>, vector<529x1x6xf32>
      %swap3A_148 = vector.shape_cast %swap3A_147 : vector<529x1x6xf32> to vector<529x6xf32>
      %swap3A_149 = vector.shape_cast %slice3A_143 : vector<529x6xf32> to vector<529x1x6xf32>
      tpu.vector_store %arg32[%swap3A_144, %swap3A_145, %swap3A_146], %swap3A_149 {strides = array<i32>} : memref<529x8x8xf32, #tpu.memory_space<vmem>>, vector<529x1x6xf32>,
      %slice3A_150 = vector.extract_strided_slice %select_n3A {offsets = [0, 21], sizes = [529, 7], strides = [1, 1]} : vector<529x36xf32> to vector<529x7xf32>
      %swap3A_151 = arith.constant 0 : index
      %swap3A_152 = arith.constant 6 : index
      %swap3A_153 = arith.constant 0 : index
      %swap3A_154 = vector.load %arg32[%swap3A_151, %swap3A_152, %swap3A_153] : memref<529x8x8xf32, #tpu.memory_space<vmem>>, vector<529x1x7xf32>
      %swap3A_155 = vector.shape_cast %swap3A_154 : vector<529x1x7xf32> to vector<529x7xf32>
      %swap3A_156 = vector.shape_cast %slice3A_150 : vector<529x7xf32> to vector<529x1x7xf32>
      tpu.vector_store %arg32[%swap3A_151, %swap3A_152, %swap3A_153], %swap3A_156 {strides = array<i32>} : memref<529x8x8xf32, #tpu.memory_space<vmem>>, vector<529x1x7xf32>,
      %slice3A_157 = vector.extract_strided_slice %select_n3A {offsets = [0, 28], sizes = [529, 8], strides = [1, 1]} : vector<529x36xf32> to vector<529x8xf32>
      %swap3A_158 = arith.constant 0 : index
      %swap3A_159 = arith.constant 7 : index
      %swap3A_160 = arith.constant 0 : index
      %swap3A_161 = vector.load %arg32[%swap3A_158, %swap3A_159, %swap3A_160] : memref<529x8x8xf32, #tpu.memory_space<vmem>>, vector<529x1x8xf32>
      %swap3A_162 = vector.shape_cast %swap3A_161 : vector<529x1x8xf32> to vector<529x8xf32>
      %swap3A_163 = vector.shape_cast %slice3A_157 : vector<529x8xf32> to vector<529x1x8xf32>
      tpu.vector_store %arg32[%swap3A_158, %swap3A_159, %swap3A_160], %swap3A_163 {strides = array<i32>} : memref<529x8x8xf32, #tpu.memory_space<vmem>>, vector<529x1x8xf32>,
    } else {
    }
    %broadcast_in_dim3A = arith.constant 0.000000e+00 : f32
    %broadcast_in_dim3A_2 = vector.broadcast %broadcast_in_dim3A : f32 to vector<184x120xf32>
    %swap3A = arith.constant 0 : index
    %swap3A_3 = arith.constant 0 : index
    %swap3A_4 = arith.constant 8 : index
    %swap3A_5 = vector.load %arg29[%swap3A, %swap3A_3, %swap3A_4] : memref<1x184x128xf32, #tpu.memory_space<vmem>>, vector<1x184x120xf32>
    %swap3A_6 = vector.shape_cast %swap3A_5 : vector<1x184x120xf32> to vector<184x120xf32>
    %swap3A_7 = vector.shape_cast %broadcast_in_dim3A_2 : vector<184x120xf32> to vector<1x184x120xf32>
    tpu.vector_store %arg29[%swap3A, %swap3A_3, %swap3A_4], %swap3A_7 {strides = array<i32>} : memref<1x184x128xf32, #tpu.memory_space<vmem>>, vector<1x184x120xf32>,
    %scan3A = arith.constant 0 : i32
    %scan3A_8 = arith.constant 23 : i32
    %scan3A_9 = arith.addi %scan3A, %scan3A_8 : i32
    %scan3A_10 = arith.constant 1 : i32
    scf.for %scan3A_48 = %scan3A to %scan3A_9 step %scan3A_10  : i32 {
      %mul3A = arith.constant 23 : i32
      %mul3A_49 = arith.muli %arg1, %mul3A : i32
      %add3A = arith.addi %mul3A_49, %scan3A_48 : i32
      %get3A = arith.index_cast %add3A : i32 to index
      %get3A_50 = arith.constant 0 : index
      %get3A_51 = arith.constant 0 : index
      %get3A_52 = vector.load %arg32[%get3A, %get3A_50, %get3A_51] : memref<529x8x8xf32, #tpu.memory_space<vmem>>, vector<1x8x8xf32>
      %squeeze3A = vector.shape_cast %get3A_52 : vector<1x8x8xf32> to vector<8x8xf32>
      %dot_general3A = arith.constant dense<0.000000e+00> : vector<8x8xf32>
      %dot_general3A_53 = tpu.matmul %squeeze3A, %squeeze3A, %dot_general3A {dimension_numbers = #tpu.dot_dimension_numbers<[1], [1], [0], [0], [0, 0, 1, 0], [], []>, transpose_lhs_hint = false} : vector<8x8xf32>, vector<8x8xf32>, vector<8x8xf32> -> vector<8x8xf32>
      %mul3A_54 = arith.constant 8 : i32
      %mul3A_55 = arith.muli %scan3A_48, %mul3A_54 : i32
      %swap3A_56 = arith.constant 0 : index
      %swap3A_57 = arith.index_cast %mul3A_55 : i32 to index
      %swap3A_58 = arith.constant 0 : index
      %swap3A_59 = vector.load %arg29[%swap3A_56, %swap3A_57, %swap3A_58] : memref<1x184x128xf32, #tpu.memory_space<vmem>>, vector<1x8x8xf32>
      %swap3A_60 = vector.shape_cast %swap3A_59 : vector<1x8x8xf32> to vector<8x8xf32>
      %swap3A_61 = vector.shape_cast %dot_general3A_53 : vector<8x8xf32> to vector<1x8x8xf32>
      tpu.vector_store %arg29[%swap3A_56, %swap3A_57, %swap3A_58], %swap3A_61 {strides = array<i32>} : memref<1x184x128xf32, #tpu.memory_space<vmem>>, vector<1x8x8xf32>,
    }
    %scan3A_11 = arith.constant 23 : i32
    %eq3A_12 = arith.constant 0 : i32
    %eq3A_13 = arith.cmpi eq, %arg1, %eq3A_12 : i32
    %convert_element_type3A_14 = arith.extui %eq3A_13 : i1 to i32
    %cond3A_15 = arith.constant 0 : i32
    %cond3A_16 = arith.cmpi ne, %convert_element_type3A_14, %cond3A_15 : i32
    scf.if %cond3A_16 {
      %get3A = arith.constant 0 : index
      %get3A_48 = arith.constant 0 : index
      %get3A_49 = arith.constant 0 : index
      %get3A_50 = vector.load %arg11[%get3A, %get3A_48, %get3A_49] : memref<1x529x18xf32, #tpu.memory_space<vmem>>, vector<1x529x18xf32>
      %get3A_51 = vector.shape_cast %get3A_50 : vector<1x529x18xf32> to vector<529x18xf32>
      %get3A_52 = arith.constant 0 : index
      %get3A_53 = arith.constant 0 : index
      %get3A_54 = vector.load %arg12[%get3A_52, %get3A_53] : memref<18x32xf32, #tpu.memory_space<vmem>>, vector<18x32xf32>
      %dot_general3A = arith.constant dense<0.000000e+00> : vector<529x32xf32>
      %dot_general3A_55 = tpu.matmul %get3A_51, %get3A_54, %dot_general3A {dimension_numbers = #tpu.dot_dimension_numbers<[1], [0], [0], [1], [0, 0, 1, 1], [], []>, transpose_lhs_hint = false} : vector<529x18xf32>, vector<18x32xf32>, vector<529x32xf32> -> vector<529x32xf32>
      %get3A_56 = arith.constant 0 : index
      %get3A_57 = arith.constant 0 : index
      %get3A_58 = vector.load %arg13[%get3A_56, %get3A_57] : memref<1x32xf32, #tpu.memory_space<vmem>>, vector<1x32xf32>
      %add3A = vector.broadcast %get3A_58 : vector<1x32xf32> to vector<529x32xf32>
      %add3A_59 = arith.addf %dot_general3A_55, %add3A : vector<529x32xf32>
      %max3A = arith.constant 0.000000e+00 : f32
      %max3A_60 = vector.broadcast %max3A : f32 to vector<529x32xf32>
      %max3A_61 = arith.maximumf %add3A_59, %max3A_60 : vector<529x32xf32>
      %get3A_62 = arith.constant 0 : index
      %get3A_63 = arith.constant 0 : index
      %get3A_64 = vector.load %arg14[%get3A_62, %get3A_63] : memref<32x64xf32, #tpu.memory_space<vmem>>, vector<32x64xf32>
      %dot_general3A_65 = arith.constant dense<0.000000e+00> : vector<529x64xf32>
      %dot_general3A_66 = tpu.matmul %max3A_61, %get3A_64, %dot_general3A_65 {dimension_numbers = #tpu.dot_dimension_numbers<[1], [0], [0], [1], [0, 0, 1, 1], [], []>, transpose_lhs_hint = false} : vector<529x32xf32>, vector<32x64xf32>, vector<529x64xf32> -> vector<529x64xf32>
      %get3A_67 = arith.constant 0 : index
      %get3A_68 = arith.constant 0 : index
      %get3A_69 = vector.load %arg15[%get3A_67, %get3A_68] : memref<1x64xf32, #tpu.memory_space<vmem>>, vector<1x64xf32>
      %add3A_70 = vector.broadcast %get3A_69 : vector<1x64xf32> to vector<529x64xf32>
      %add3A_71 = arith.addf %dot_general3A_66, %add3A_70 : vector<529x64xf32>
      %max3A_72 = arith.constant 0.000000e+00 : f32
      %max3A_73 = vector.broadcast %max3A_72 : f32 to vector<529x64xf32>
      %max3A_74 = arith.maximumf %add3A_71, %max3A_73 : vector<529x64xf32>
      %get3A_75 = arith.constant 0 : index
      %get3A_76 = arith.constant 0 : index
      %get3A_77 = vector.load %arg16[%get3A_75, %get3A_76] : memref<64x64xf32, #tpu.memory_space<vmem>>, vector<64x64xf32>
      %dot_general3A_78 = arith.constant dense<0.000000e+00> : vector<529x64xf32>
      %dot_general3A_79 = tpu.matmul %max3A_74, %get3A_77, %dot_general3A_78 {dimension_numbers = #tpu.dot_dimension_numbers<[1], [0], [0], [1], [0, 0, 1, 1], [], []>, transpose_lhs_hint = false} : vector<529x64xf32>, vector<64x64xf32>, vector<529x64xf32> -> vector<529x64xf32>
      %get3A_80 = arith.constant 0 : index
      %get3A_81 = arith.constant 0 : index
      %get3A_82 = vector.load %arg17[%get3A_80, %get3A_81] : memref<1x64xf32, #tpu.memory_space<vmem>>, vector<1x64xf32>
      %add3A_83 = vector.broadcast %get3A_82 : vector<1x64xf32> to vector<529x64xf32>
      %add3A_84 = arith.addf %dot_general3A_79, %add3A_83 : vector<529x64xf32>
      %max3A_85 = arith.constant 0.000000e+00 : f32
      %max3A_86 = vector.broadcast %max3A_85 : f32 to vector<529x64xf32>
      %max3A_87 = arith.maximumf %add3A_84, %max3A_86 : vector<529x64xf32>
      %get3A_88 = arith.constant 0 : index
      %get3A_89 = arith.constant 0 : index
      %get3A_90 = vector.load %arg18[%get3A_88, %get3A_89] : memref<64x528xf32, #tpu.memory_space<vmem>>, vector<64x528xf32>
      %dot_general3A_91 = arith.constant dense<0.000000e+00> : vector<529x528xf32>
      %dot_general3A_92 = tpu.matmul %max3A_87, %get3A_90, %dot_general3A_91 {dimension_numbers = #tpu.dot_dimension_numbers<[1], [0], [0], [1], [0, 0, 1, 1], [], []>, transpose_lhs_hint = false} : vector<529x64xf32>, vector<64x528xf32>, vector<529x528xf32> -> vector<529x528xf32>
      %get3A_93 = arith.constant 0 : index
      %get3A_94 = arith.constant 0 : index
      %get3A_95 = vector.load %arg19[%get3A_93, %get3A_94] : memref<1x528xf32, #tpu.memory_space<vmem>>, vector<1x528xf32>
      %gt3A = arith.constant 5.000000e-01 : f32
      %gt3A_96 = vector.broadcast %gt3A : f32 to vector<1x528xf32>
      %gt3A_97 = arith.cmpf ogt, %get3A_95, %gt3A_96 : vector<1x528xf32>
      %max3A_98 = arith.constant 0.000000e+00 : f32
      %max3A_99 = vector.broadcast %max3A_98 : f32 to vector<529x528xf32>
      %max3A_100 = arith.maximumf %dot_general3A_92, %max3A_99 : vector<529x528xf32>
      %broadcast_in_dim3A_101 = vector.shape_cast %gt3A_97 : vector<1x528xi1> to vector<1x528xi1>
      %broadcast_in_dim3A_102 = vector.broadcast %broadcast_in_dim3A_101 : vector<1x528xi1> to vector<529x528xi1>
      %select_n3A = arith.select %broadcast_in_dim3A_102, %max3A_100, %dot_general3A_92 : vector<529x528xi1>, vector<529x528xf32>
      %broadcast_in_dim3A_103 = arith.constant 0.000000e+00 : f32
      %broadcast_in_dim3A_104 = vector.broadcast %broadcast_in_dim3A_103 : f32 to vector<529x32x32xf32>
      %swap3A_105 = arith.constant 0 : index
      %swap3A_106 = arith.constant 0 : index
      %swap3A_107 = arith.constant 0 : index
      %swap3A_108 = vector.load %arg33[%swap3A_105, %swap3A_106, %swap3A_107] : memref<529x32x32xf32, #tpu.memory_space<vmem>>, vector<529x32x32xf32>
      tpu.vector_store %arg33[%swap3A_105, %swap3A_106, %swap3A_107], %broadcast_in_dim3A_104 {strides = array<i32>} : memref<529x32x32xf32, #tpu.memory_space<vmem>>, vector<529x32x32xf32>,
      %slice3A = vector.extract_strided_slice %select_n3A {offsets = [0, 0], sizes = [529, 1], strides = [1, 1]} : vector<529x528xf32> to vector<529x1xf32>
      %swap3A_109 = arith.constant 0 : index
      %swap3A_110 = arith.constant 0 : index
      %swap3A_111 = arith.constant 0 : index
      %swap3A_112 = vector.load %arg33[%swap3A_109, %swap3A_110, %swap3A_111] : memref<529x32x32xf32, #tpu.memory_space<vmem>>, vector<529x1x1xf32>
      %swap3A_113 = vector.shape_cast %swap3A_112 : vector<529x1x1xf32> to vector<529x1xf32>
      %swap3A_114 = vector.shape_cast %slice3A : vector<529x1xf32> to vector<529x1x1xf32>
      tpu.vector_store %arg33[%swap3A_109, %swap3A_110, %swap3A_111], %swap3A_114 {strides = array<i32>} : memref<529x32x32xf32, #tpu.memory_space<vmem>>, vector<529x1x1xf32>,
      %slice3A_115 = vector.extract_strided_slice %select_n3A {offsets = [0, 1], sizes = [529, 2], strides = [1, 1]} : vector<529x528xf32> to vector<529x2xf32>
      %swap3A_116 = arith.constant 0 : index
      %swap3A_117 = arith.constant 1 : index
      %swap3A_118 = arith.constant 0 : index
      %swap3A_119 = vector.load %arg33[%swap3A_116, %swap3A_117, %swap3A_118] : memref<529x32x32xf32, #tpu.memory_space<vmem>>, vector<529x1x2xf32>
      %swap3A_120 = vector.shape_cast %swap3A_119 : vector<529x1x2xf32> to vector<529x2xf32>
      %swap3A_121 = vector.shape_cast %slice3A_115 : vector<529x2xf32> to vector<529x1x2xf32>
      tpu.vector_store %arg33[%swap3A_116, %swap3A_117, %swap3A_118], %swap3A_121 {strides = array<i32>} : memref<529x32x32xf32, #tpu.memory_space<vmem>>, vector<529x1x2xf32>,
      %slice3A_122 = vector.extract_strided_slice %select_n3A {offsets = [0, 3], sizes = [529, 3], strides = [1, 1]} : vector<529x528xf32> to vector<529x3xf32>
      %swap3A_123 = arith.constant 0 : index
      %swap3A_124 = arith.constant 2 : index
      %swap3A_125 = arith.constant 0 : index
      %swap3A_126 = vector.load %arg33[%swap3A_123, %swap3A_124, %swap3A_125] : memref<529x32x32xf32, #tpu.memory_space<vmem>>, vector<529x1x3xf32>
      %swap3A_127 = vector.shape_cast %swap3A_126 : vector<529x1x3xf32> to vector<529x3xf32>
      %swap3A_128 = vector.shape_cast %slice3A_122 : vector<529x3xf32> to vector<529x1x3xf32>
      tpu.vector_store %arg33[%swap3A_123, %swap3A_124, %swap3A_125], %swap3A_128 {strides = array<i32>} : memref<529x32x32xf32, #tpu.memory_space<vmem>>, vector<529x1x3xf32>,
      %slice3A_129 = vector.extract_strided_slice %select_n3A {offsets = [0, 6], sizes = [529, 4], strides = [1, 1]} : vector<529x528xf32> to vector<529x4xf32>
      %swap3A_130 = arith.constant 0 : index
      %swap3A_131 = arith.constant 3 : index
      %swap3A_132 = arith.constant 0 : index
      %swap3A_133 = vector.load %arg33[%swap3A_130, %swap3A_131, %swap3A_132] : memref<529x32x32xf32, #tpu.memory_space<vmem>>, vector<529x1x4xf32>
      %swap3A_134 = vector.shape_cast %swap3A_133 : vector<529x1x4xf32> to vector<529x4xf32>
      %swap3A_135 = vector.shape_cast %slice3A_129 : vector<529x4xf32> to vector<529x1x4xf32>
      tpu.vector_store %arg33[%swap3A_130, %swap3A_131, %swap3A_132], %swap3A_135 {strides = array<i32>} : memref<529x32x32xf32, #tpu.memory_space<vmem>>, vector<529x1x4xf32>,
      %slice3A_136 = vector.extract_strided_slice %select_n3A {offsets = [0, 10], sizes = [529, 5], strides = [1, 1]} : vector<529x528xf32> to vector<529x5xf32>
      %swap3A_137 = arith.constant 0 : index
      %swap3A_138 = arith.constant 4 : index
      %swap3A_139 = arith.constant 0 : index
      %swap3A_140 = vector.load %arg33[%swap3A_137, %swap3A_138, %swap3A_139] : memref<529x32x32xf32, #tpu.memory_space<vmem>>, vector<529x1x5xf32>
      %swap3A_141 = vector.shape_cast %swap3A_140 : vector<529x1x5xf32> to vector<529x5xf32>
      %swap3A_142 = vector.shape_cast %slice3A_136 : vector<529x5xf32> to vector<529x1x5xf32>
      tpu.vector_store %arg33[%swap3A_137, %swap3A_138, %swap3A_139], %swap3A_142 {strides = array<i32>} : memref<529x32x32xf32, #tpu.memory_space<vmem>>, vector<529x1x5xf32>,
      %slice3A_143 = vector.extract_strided_slice %select_n3A {offsets = [0, 15], sizes = [529, 6], strides = [1, 1]} : vector<529x528xf32> to vector<529x6xf32>
      %swap3A_144 = arith.constant 0 : index
      %swap3A_145 = arith.constant 5 : index
      %swap3A_146 = arith.constant 0 : index
      %swap3A_147 = vector.load %arg33[%swap3A_144, %swap3A_145, %swap3A_146] : memref<529x32x32xf32, #tpu.memory_space<vmem>>, vector<529x1x6xf32>
      %swap3A_148 = vector.shape_cast %swap3A_147 : vector<529x1x6xf32> to vector<529x6xf32>
      %swap3A_149 = vector.shape_cast %slice3A_143 : vector<529x6xf32> to vector<529x1x6xf32>
      tpu.vector_store %arg33[%swap3A_144, %swap3A_145, %swap3A_146], %swap3A_149 {strides = array<i32>} : memref<529x32x32xf32, #tpu.memory_space<vmem>>, vector<529x1x6xf32>,
      %slice3A_150 = vector.extract_strided_slice %select_n3A {offsets = [0, 21], sizes = [529, 7], strides = [1, 1]} : vector<529x528xf32> to vector<529x7xf32>
      %swap3A_151 = arith.constant 0 : index
      %swap3A_152 = arith.constant 6 : index
      %swap3A_153 = arith.constant 0 : index
      %swap3A_154 = vector.load %arg33[%swap3A_151, %swap3A_152, %swap3A_153] : memref<529x32x32xf32, #tpu.memory_space<vmem>>, vector<529x1x7xf32>
      %swap3A_155 = vector.shape_cast %swap3A_154 : vector<529x1x7xf32> to vector<529x7xf32>
      %swap3A_156 = vector.shape_cast %slice3A_150 : vector<529x7xf32> to vector<529x1x7xf32>
      tpu.vector_store %arg33[%swap3A_151, %swap3A_152, %swap3A_153], %swap3A_156 {strides = array<i32>} : memref<529x32x32xf32, #tpu.memory_space<vmem>>, vector<529x1x7xf32>,
      %slice3A_157 = vector.extract_strided_slice %select_n3A {offsets = [0, 28], sizes = [529, 8], strides = [1, 1]} : vector<529x528xf32> to vector<529x8xf32>
      %swap3A_158 = arith.constant 0 : index
      %swap3A_159 = arith.constant 7 : index
      %swap3A_160 = arith.constant 0 : index
      %swap3A_161 = vector.load %arg33[%swap3A_158, %swap3A_159, %swap3A_160] : memref<529x32x32xf32, #tpu.memory_space<vmem>>, vector<529x1x8xf32>
      %swap3A_162 = vector.shape_cast %swap3A_161 : vector<529x1x8xf32> to vector<529x8xf32>
      %swap3A_163 = vector.shape_cast %slice3A_157 : vector<529x8xf32> to vector<529x1x8xf32>
      tpu.vector_store %arg33[%swap3A_158, %swap3A_159, %swap3A_160], %swap3A_163 {strides = array<i32>} : memref<529x32x32xf32, #tpu.memory_space<vmem>>, vector<529x1x8xf32>,
      %slice3A_164 = vector.extract_strided_slice %select_n3A {offsets = [0, 36], sizes = [529, 9], strides = [1, 1]} : vector<529x528xf32> to vector<529x9xf32>
      %swap3A_165 = arith.constant 0 : index
      %swap3A_166 = arith.constant 8 : index
      %swap3A_167 = arith.constant 0 : index
      %swap3A_168 = vector.load %arg33[%swap3A_165, %swap3A_166, %swap3A_167] : memref<529x32x32xf32, #tpu.memory_space<vmem>>, vector<529x1x9xf32>
      %swap3A_169 = vector.shape_cast %swap3A_168 : vector<529x1x9xf32> to vector<529x9xf32>
      %swap3A_170 = vector.shape_cast %slice3A_164 : vector<529x9xf32> to vector<529x1x9xf32>
      tpu.vector_store %arg33[%swap3A_165, %swap3A_166, %swap3A_167], %swap3A_170 {strides = array<i32>} : memref<529x32x32xf32, #tpu.memory_space<vmem>>, vector<529x1x9xf32>,
      %slice3A_171 = vector.extract_strided_slice %select_n3A {offsets = [0, 45], sizes = [529, 10], strides = [1, 1]} : vector<529x528xf32> to vector<529x10xf32>
      %swap3A_172 = arith.constant 0 : index
      %swap3A_173 = arith.constant 9 : index
      %swap3A_174 = arith.constant 0 : index
      %swap3A_175 = vector.load %arg33[%swap3A_172, %swap3A_173, %swap3A_174] : memref<529x32x32xf32, #tpu.memory_space<vmem>>, vector<529x1x10xf32>
      %swap3A_176 = vector.shape_cast %swap3A_175 : vector<529x1x10xf32> to vector<529x10xf32>
      %swap3A_177 = vector.shape_cast %slice3A_171 : vector<529x10xf32> to vector<529x1x10xf32>
      tpu.vector_store %arg33[%swap3A_172, %swap3A_173, %swap3A_174], %swap3A_177 {strides = array<i32>} : memref<529x32x32xf32, #tpu.memory_space<vmem>>, vector<529x1x10xf32>,
      %slice3A_178 = vector.extract_strided_slice %select_n3A {offsets = [0, 55], sizes = [529, 11], strides = [1, 1]} : vector<529x528xf32> to vector<529x11xf32>
      %swap3A_179 = arith.constant 0 : index
      %swap3A_180 = arith.constant 10 : index
      %swap3A_181 = arith.constant 0 : index
      %swap3A_182 = vector.load %arg33[%swap3A_179, %swap3A_180, %swap3A_181] : memref<529x32x32xf32, #tpu.memory_space<vmem>>, vector<529x1x11xf32>
      %swap3A_183 = vector.shape_cast %swap3A_182 : vector<529x1x11xf32> to vector<529x11xf32>
      %swap3A_184 = vector.shape_cast %slice3A_178 : vector<529x11xf32> to vector<529x1x11xf32>
      tpu.vector_store %arg33[%swap3A_179, %swap3A_180, %swap3A_181], %swap3A_184 {strides = array<i32>} : memref<529x32x32xf32, #tpu.memory_space<vmem>>, vector<529x1x11xf32>,
      %slice3A_185 = vector.extract_strided_slice %select_n3A {offsets = [0, 66], sizes = [529, 12], strides = [1, 1]} : vector<529x528xf32> to vector<529x12xf32>
      %swap3A_186 = arith.constant 0 : index
      %swap3A_187 = arith.constant 11 : index
      %swap3A_188 = arith.constant 0 : index
      %swap3A_189 = vector.load %arg33[%swap3A_186, %swap3A_187, %swap3A_188] : memref<529x32x32xf32, #tpu.memory_space<vmem>>, vector<529x1x12xf32>
      %swap3A_190 = vector.shape_cast %swap3A_189 : vector<529x1x12xf32> to vector<529x12xf32>
      %swap3A_191 = vector.shape_cast %slice3A_185 : vector<529x12xf32> to vector<529x1x12xf32>
      tpu.vector_store %arg33[%swap3A_186, %swap3A_187, %swap3A_188], %swap3A_191 {strides = array<i32>} : memref<529x32x32xf32, #tpu.memory_space<vmem>>, vector<529x1x12xf32>,
      %slice3A_192 = vector.extract_strided_slice %select_n3A {offsets = [0, 78], sizes = [529, 13], strides = [1, 1]} : vector<529x528xf32> to vector<529x13xf32>
      %swap3A_193 = arith.constant 0 : index
      %swap3A_194 = arith.constant 12 : index
      %swap3A_195 = arith.constant 0 : index
      %swap3A_196 = vector.load %arg33[%swap3A_193, %swap3A_194, %swap3A_195] : memref<529x32x32xf32, #tpu.memory_space<vmem>>, vector<529x1x13xf32>
      %swap3A_197 = vector.shape_cast %swap3A_196 : vector<529x1x13xf32> to vector<529x13xf32>
      %swap3A_198 = vector.shape_cast %slice3A_192 : vector<529x13xf32> to vector<529x1x13xf32>
      tpu.vector_store %arg33[%swap3A_193, %swap3A_194, %swap3A_195], %swap3A_198 {strides = array<i32>} : memref<529x32x32xf32, #tpu.memory_space<vmem>>, vector<529x1x13xf32>,
      %slice3A_199 = vector.extract_strided_slice %select_n3A {offsets = [0, 91], sizes = [529, 14], strides = [1, 1]} : vector<529x528xf32> to vector<529x14xf32>
      %swap3A_200 = arith.constant 0 : index
      %swap3A_201 = arith.constant 13 : index
      %swap3A_202 = arith.constant 0 : index
      %swap3A_203 = vector.load %arg33[%swap3A_200, %swap3A_201, %swap3A_202] : memref<529x32x32xf32, #tpu.memory_space<vmem>>, vector<529x1x14xf32>
      %swap3A_204 = vector.shape_cast %swap3A_203 : vector<529x1x14xf32> to vector<529x14xf32>
      %swap3A_205 = vector.shape_cast %slice3A_199 : vector<529x14xf32> to vector<529x1x14xf32>
      tpu.vector_store %arg33[%swap3A_200, %swap3A_201, %swap3A_202], %swap3A_205 {strides = array<i32>} : memref<529x32x32xf32, #tpu.memory_space<vmem>>, vector<529x1x14xf32>,
      %slice3A_206 = vector.extract_strided_slice %select_n3A {offsets = [0, 105], sizes = [529, 15], strides = [1, 1]} : vector<529x528xf32> to vector<529x15xf32>
      %swap3A_207 = arith.constant 0 : index
      %swap3A_208 = arith.constant 14 : index
      %swap3A_209 = arith.constant 0 : index
      %swap3A_210 = vector.load %arg33[%swap3A_207, %swap3A_208, %swap3A_209] : memref<529x32x32xf32, #tpu.memory_space<vmem>>, vector<529x1x15xf32>
      %swap3A_211 = vector.shape_cast %swap3A_210 : vector<529x1x15xf32> to vector<529x15xf32>
      %swap3A_212 = vector.shape_cast %slice3A_206 : vector<529x15xf32> to vector<529x1x15xf32>
      tpu.vector_store %arg33[%swap3A_207, %swap3A_208, %swap3A_209], %swap3A_212 {strides = array<i32>} : memref<529x32x32xf32, #tpu.memory_space<vmem>>, vector<529x1x15xf32>,
      %slice3A_213 = vector.extract_strided_slice %select_n3A {offsets = [0, 120], sizes = [529, 16], strides = [1, 1]} : vector<529x528xf32> to vector<529x16xf32>
      %swap3A_214 = arith.constant 0 : index
      %swap3A_215 = arith.constant 15 : index
      %swap3A_216 = arith.constant 0 : index
      %swap3A_217 = vector.load %arg33[%swap3A_214, %swap3A_215, %swap3A_216] : memref<529x32x32xf32, #tpu.memory_space<vmem>>, vector<529x1x16xf32>
      %swap3A_218 = vector.shape_cast %swap3A_217 : vector<529x1x16xf32> to vector<529x16xf32>
      %swap3A_219 = vector.shape_cast %slice3A_213 : vector<529x16xf32> to vector<529x1x16xf32>
      tpu.vector_store %arg33[%swap3A_214, %swap3A_215, %swap3A_216], %swap3A_219 {strides = array<i32>} : memref<529x32x32xf32, #tpu.memory_space<vmem>>, vector<529x1x16xf32>,
      %slice3A_220 = vector.extract_strided_slice %select_n3A {offsets = [0, 136], sizes = [529, 17], strides = [1, 1]} : vector<529x528xf32> to vector<529x17xf32>
      %swap3A_221 = arith.constant 0 : index
      %swap3A_222 = arith.constant 16 : index
      %swap3A_223 = arith.constant 0 : index
      %swap3A_224 = vector.load %arg33[%swap3A_221, %swap3A_222, %swap3A_223] : memref<529x32x32xf32, #tpu.memory_space<vmem>>, vector<529x1x17xf32>
      %swap3A_225 = vector.shape_cast %swap3A_224 : vector<529x1x17xf32> to vector<529x17xf32>
      %swap3A_226 = vector.shape_cast %slice3A_220 : vector<529x17xf32> to vector<529x1x17xf32>
      tpu.vector_store %arg33[%swap3A_221, %swap3A_222, %swap3A_223], %swap3A_226 {strides = array<i32>} : memref<529x32x32xf32, #tpu.memory_space<vmem>>, vector<529x1x17xf32>,
      %slice3A_227 = vector.extract_strided_slice %select_n3A {offsets = [0, 153], sizes = [529, 18], strides = [1, 1]} : vector<529x528xf32> to vector<529x18xf32>
      %swap3A_228 = arith.constant 0 : index
      %swap3A_229 = arith.constant 17 : index
      %swap3A_230 = arith.constant 0 : index
      %swap3A_231 = vector.load %arg33[%swap3A_228, %swap3A_229, %swap3A_230] : memref<529x32x32xf32, #tpu.memory_space<vmem>>, vector<529x1x18xf32>
      %swap3A_232 = vector.shape_cast %swap3A_231 : vector<529x1x18xf32> to vector<529x18xf32>
      %swap3A_233 = vector.shape_cast %slice3A_227 : vector<529x18xf32> to vector<529x1x18xf32>
      tpu.vector_store %arg33[%swap3A_228, %swap3A_229, %swap3A_230], %swap3A_233 {strides = array<i32>} : memref<529x32x32xf32, #tpu.memory_space<vmem>>, vector<529x1x18xf32>,
      %slice3A_234 = vector.extract_strided_slice %select_n3A {offsets = [0, 171], sizes = [529, 19], strides = [1, 1]} : vector<529x528xf32> to vector<529x19xf32>
      %swap3A_235 = arith.constant 0 : index
      %swap3A_236 = arith.constant 18 : index
      %swap3A_237 = arith.constant 0 : index
      %swap3A_238 = vector.load %arg33[%swap3A_235, %swap3A_236, %swap3A_237] : memref<529x32x32xf32, #tpu.memory_space<vmem>>, vector<529x1x19xf32>
      %swap3A_239 = vector.shape_cast %swap3A_238 : vector<529x1x19xf32> to vector<529x19xf32>
      %swap3A_240 = vector.shape_cast %slice3A_234 : vector<529x19xf32> to vector<529x1x19xf32>
      tpu.vector_store %arg33[%swap3A_235, %swap3A_236, %swap3A_237], %swap3A_240 {strides = array<i32>} : memref<529x32x32xf32, #tpu.memory_space<vmem>>, vector<529x1x19xf32>,
      %slice3A_241 = vector.extract_strided_slice %select_n3A {offsets = [0, 190], sizes = [529, 20], strides = [1, 1]} : vector<529x528xf32> to vector<529x20xf32>
      %swap3A_242 = arith.constant 0 : index
      %swap3A_243 = arith.constant 19 : index
      %swap3A_244 = arith.constant 0 : index
      %swap3A_245 = vector.load %arg33[%swap3A_242, %swap3A_243, %swap3A_244] : memref<529x32x32xf32, #tpu.memory_space<vmem>>, vector<529x1x20xf32>
      %swap3A_246 = vector.shape_cast %swap3A_245 : vector<529x1x20xf32> to vector<529x20xf32>
      %swap3A_247 = vector.shape_cast %slice3A_241 : vector<529x20xf32> to vector<529x1x20xf32>
      tpu.vector_store %arg33[%swap3A_242, %swap3A_243, %swap3A_244], %swap3A_247 {strides = array<i32>} : memref<529x32x32xf32, #tpu.memory_space<vmem>>, vector<529x1x20xf32>,
      %slice3A_248 = vector.extract_strided_slice %select_n3A {offsets = [0, 210], sizes = [529, 21], strides = [1, 1]} : vector<529x528xf32> to vector<529x21xf32>
      %swap3A_249 = arith.constant 0 : index
      %swap3A_250 = arith.constant 20 : index
      %swap3A_251 = arith.constant 0 : index
      %swap3A_252 = vector.load %arg33[%swap3A_249, %swap3A_250, %swap3A_251] : memref<529x32x32xf32, #tpu.memory_space<vmem>>, vector<529x1x21xf32>
      %swap3A_253 = vector.shape_cast %swap3A_252 : vector<529x1x21xf32> to vector<529x21xf32>
      %swap3A_254 = vector.shape_cast %slice3A_248 : vector<529x21xf32> to vector<529x1x21xf32>
      tpu.vector_store %arg33[%swap3A_249, %swap3A_250, %swap3A_251], %swap3A_254 {strides = array<i32>} : memref<529x32x32xf32, #tpu.memory_space<vmem>>, vector<529x1x21xf32>,
      %slice3A_255 = vector.extract_strided_slice %select_n3A {offsets = [0, 231], sizes = [529, 22], strides = [1, 1]} : vector<529x528xf32> to vector<529x22xf32>
      %swap3A_256 = arith.constant 0 : index
      %swap3A_257 = arith.constant 21 : index
      %swap3A_258 = arith.constant 0 : index
      %swap3A_259 = vector.load %arg33[%swap3A_256, %swap3A_257, %swap3A_258] : memref<529x32x32xf32, #tpu.memory_space<vmem>>, vector<529x1x22xf32>
      %swap3A_260 = vector.shape_cast %swap3A_259 : vector<529x1x22xf32> to vector<529x22xf32>
      %swap3A_261 = vector.shape_cast %slice3A_255 : vector<529x22xf32> to vector<529x1x22xf32>
      tpu.vector_store %arg33[%swap3A_256, %swap3A_257, %swap3A_258], %swap3A_261 {strides = array<i32>} : memref<529x32x32xf32, #tpu.memory_space<vmem>>, vector<529x1x22xf32>,
      %slice3A_262 = vector.extract_strided_slice %select_n3A {offsets = [0, 253], sizes = [529, 23], strides = [1, 1]} : vector<529x528xf32> to vector<529x23xf32>
      %swap3A_263 = arith.constant 0 : index
      %swap3A_264 = arith.constant 22 : index
      %swap3A_265 = arith.constant 0 : index
      %swap3A_266 = vector.load %arg33[%swap3A_263, %swap3A_264, %swap3A_265] : memref<529x32x32xf32, #tpu.memory_space<vmem>>, vector<529x1x23xf32>
      %swap3A_267 = vector.shape_cast %swap3A_266 : vector<529x1x23xf32> to vector<529x23xf32>
      %swap3A_268 = vector.shape_cast %slice3A_262 : vector<529x23xf32> to vector<529x1x23xf32>
      tpu.vector_store %arg33[%swap3A_263, %swap3A_264, %swap3A_265], %swap3A_268 {strides = array<i32>} : memref<529x32x32xf32, #tpu.memory_space<vmem>>, vector<529x1x23xf32>,
      %slice3A_269 = vector.extract_strided_slice %select_n3A {offsets = [0, 276], sizes = [529, 24], strides = [1, 1]} : vector<529x528xf32> to vector<529x24xf32>
      %swap3A_270 = arith.constant 0 : index
      %swap3A_271 = arith.constant 23 : index
      %swap3A_272 = arith.constant 0 : index
      %swap3A_273 = vector.load %arg33[%swap3A_270, %swap3A_271, %swap3A_272] : memref<529x32x32xf32, #tpu.memory_space<vmem>>, vector<529x1x24xf32>
      %swap3A_274 = vector.shape_cast %swap3A_273 : vector<529x1x24xf32> to vector<529x24xf32>
      %swap3A_275 = vector.shape_cast %slice3A_269 : vector<529x24xf32> to vector<529x1x24xf32>
      tpu.vector_store %arg33[%swap3A_270, %swap3A_271, %swap3A_272], %swap3A_275 {strides = array<i32>} : memref<529x32x32xf32, #tpu.memory_space<vmem>>, vector<529x1x24xf32>,
      %slice3A_276 = vector.extract_strided_slice %select_n3A {offsets = [0, 300], sizes = [529, 25], strides = [1, 1]} : vector<529x528xf32> to vector<529x25xf32>
      %swap3A_277 = arith.constant 0 : index
      %swap3A_278 = arith.constant 24 : index
      %swap3A_279 = arith.constant 0 : index
      %swap3A_280 = vector.load %arg33[%swap3A_277, %swap3A_278, %swap3A_279] : memref<529x32x32xf32, #tpu.memory_space<vmem>>, vector<529x1x25xf32>
      %swap3A_281 = vector.shape_cast %swap3A_280 : vector<529x1x25xf32> to vector<529x25xf32>
      %swap3A_282 = vector.shape_cast %slice3A_276 : vector<529x25xf32> to vector<529x1x25xf32>
      tpu.vector_store %arg33[%swap3A_277, %swap3A_278, %swap3A_279], %swap3A_282 {strides = array<i32>} : memref<529x32x32xf32, #tpu.memory_space<vmem>>, vector<529x1x25xf32>,
      %slice3A_283 = vector.extract_strided_slice %select_n3A {offsets = [0, 325], sizes = [529, 26], strides = [1, 1]} : vector<529x528xf32> to vector<529x26xf32>
      %swap3A_284 = arith.constant 0 : index
      %swap3A_285 = arith.constant 25 : index
      %swap3A_286 = arith.constant 0 : index
      %swap3A_287 = vector.load %arg33[%swap3A_284, %swap3A_285, %swap3A_286] : memref<529x32x32xf32, #tpu.memory_space<vmem>>, vector<529x1x26xf32>
      %swap3A_288 = vector.shape_cast %swap3A_287 : vector<529x1x26xf32> to vector<529x26xf32>
      %swap3A_289 = vector.shape_cast %slice3A_283 : vector<529x26xf32> to vector<529x1x26xf32>
      tpu.vector_store %arg33[%swap3A_284, %swap3A_285, %swap3A_286], %swap3A_289 {strides = array<i32>} : memref<529x32x32xf32, #tpu.memory_space<vmem>>, vector<529x1x26xf32>,
      %slice3A_290 = vector.extract_strided_slice %select_n3A {offsets = [0, 351], sizes = [529, 27], strides = [1, 1]} : vector<529x528xf32> to vector<529x27xf32>
      %swap3A_291 = arith.constant 0 : index
      %swap3A_292 = arith.constant 26 : index
      %swap3A_293 = arith.constant 0 : index
      %swap3A_294 = vector.load %arg33[%swap3A_291, %swap3A_292, %swap3A_293] : memref<529x32x32xf32, #tpu.memory_space<vmem>>, vector<529x1x27xf32>
      %swap3A_295 = vector.shape_cast %swap3A_294 : vector<529x1x27xf32> to vector<529x27xf32>
      %swap3A_296 = vector.shape_cast %slice3A_290 : vector<529x27xf32> to vector<529x1x27xf32>
      tpu.vector_store %arg33[%swap3A_291, %swap3A_292, %swap3A_293], %swap3A_296 {strides = array<i32>} : memref<529x32x32xf32, #tpu.memory_space<vmem>>, vector<529x1x27xf32>,
      %slice3A_297 = vector.extract_strided_slice %select_n3A {offsets = [0, 378], sizes = [529, 28], strides = [1, 1]} : vector<529x528xf32> to vector<529x28xf32>
      %swap3A_298 = arith.constant 0 : index
      %swap3A_299 = arith.constant 27 : index
      %swap3A_300 = arith.constant 0 : index
      %swap3A_301 = vector.load %arg33[%swap3A_298, %swap3A_299, %swap3A_300] : memref<529x32x32xf32, #tpu.memory_space<vmem>>, vector<529x1x28xf32>
      %swap3A_302 = vector.shape_cast %swap3A_301 : vector<529x1x28xf32> to vector<529x28xf32>
      %swap3A_303 = vector.shape_cast %slice3A_297 : vector<529x28xf32> to vector<529x1x28xf32>
      tpu.vector_store %arg33[%swap3A_298, %swap3A_299, %swap3A_300], %swap3A_303 {strides = array<i32>} : memref<529x32x32xf32, #tpu.memory_space<vmem>>, vector<529x1x28xf32>,
      %slice3A_304 = vector.extract_strided_slice %select_n3A {offsets = [0, 406], sizes = [529, 29], strides = [1, 1]} : vector<529x528xf32> to vector<529x29xf32>
      %swap3A_305 = arith.constant 0 : index
      %swap3A_306 = arith.constant 28 : index
      %swap3A_307 = arith.constant 0 : index
      %swap3A_308 = vector.load %arg33[%swap3A_305, %swap3A_306, %swap3A_307] : memref<529x32x32xf32, #tpu.memory_space<vmem>>, vector<529x1x29xf32>
      %swap3A_309 = vector.shape_cast %swap3A_308 : vector<529x1x29xf32> to vector<529x29xf32>
      %swap3A_310 = vector.shape_cast %slice3A_304 : vector<529x29xf32> to vector<529x1x29xf32>
      tpu.vector_store %arg33[%swap3A_305, %swap3A_306, %swap3A_307], %swap3A_310 {strides = array<i32>} : memref<529x32x32xf32, #tpu.memory_space<vmem>>, vector<529x1x29xf32>,
      %slice3A_311 = vector.extract_strided_slice %select_n3A {offsets = [0, 435], sizes = [529, 30], strides = [1, 1]} : vector<529x528xf32> to vector<529x30xf32>
      %swap3A_312 = arith.constant 0 : index
      %swap3A_313 = arith.constant 29 : index
      %swap3A_314 = arith.constant 0 : index
      %swap3A_315 = vector.load %arg33[%swap3A_312, %swap3A_313, %swap3A_314] : memref<529x32x32xf32, #tpu.memory_space<vmem>>, vector<529x1x30xf32>
      %swap3A_316 = vector.shape_cast %swap3A_315 : vector<529x1x30xf32> to vector<529x30xf32>
      %swap3A_317 = vector.shape_cast %slice3A_311 : vector<529x30xf32> to vector<529x1x30xf32>
      tpu.vector_store %arg33[%swap3A_312, %swap3A_313, %swap3A_314], %swap3A_317 {strides = array<i32>} : memref<529x32x32xf32, #tpu.memory_space<vmem>>, vector<529x1x30xf32>,
      %slice3A_318 = vector.extract_strided_slice %select_n3A {offsets = [0, 465], sizes = [529, 31], strides = [1, 1]} : vector<529x528xf32> to vector<529x31xf32>
      %swap3A_319 = arith.constant 0 : index
      %swap3A_320 = arith.constant 30 : index
      %swap3A_321 = arith.constant 0 : index
      %swap3A_322 = vector.load %arg33[%swap3A_319, %swap3A_320, %swap3A_321] : memref<529x32x32xf32, #tpu.memory_space<vmem>>, vector<529x1x31xf32>
      %swap3A_323 = vector.shape_cast %swap3A_322 : vector<529x1x31xf32> to vector<529x31xf32>
      %swap3A_324 = vector.shape_cast %slice3A_318 : vector<529x31xf32> to vector<529x1x31xf32>
      tpu.vector_store %arg33[%swap3A_319, %swap3A_320, %swap3A_321], %swap3A_324 {strides = array<i32>} : memref<529x32x32xf32, #tpu.memory_space<vmem>>, vector<529x1x31xf32>,
      %slice3A_325 = vector.extract_strided_slice %select_n3A {offsets = [0, 496], sizes = [529, 32], strides = [1, 1]} : vector<529x528xf32> to vector<529x32xf32>
      %swap3A_326 = arith.constant 0 : index
      %swap3A_327 = arith.constant 31 : index
      %swap3A_328 = arith.constant 0 : index
      %swap3A_329 = vector.load %arg33[%swap3A_326, %swap3A_327, %swap3A_328] : memref<529x32x32xf32, #tpu.memory_space<vmem>>, vector<529x1x32xf32>
      %swap3A_330 = vector.shape_cast %swap3A_329 : vector<529x1x32xf32> to vector<529x32xf32>
      %swap3A_331 = vector.shape_cast %slice3A_325 : vector<529x32xf32> to vector<529x1x32xf32>
      tpu.vector_store %arg33[%swap3A_326, %swap3A_327, %swap3A_328], %swap3A_331 {strides = array<i32>} : memref<529x32x32xf32, #tpu.memory_space<vmem>>, vector<529x1x32xf32>,
    } else {
    }
    %broadcast_in_dim3A_17 = arith.constant 0.000000e+00 : f32
    %broadcast_in_dim3A_18 = vector.broadcast %broadcast_in_dim3A_17 : f32 to vector<736x96xf32>
    %swap3A_19 = arith.constant 0 : index
    %swap3A_20 = arith.constant 0 : index
    %swap3A_21 = arith.constant 32 : index
    %swap3A_22 = vector.load %arg30[%swap3A_19, %swap3A_20, %swap3A_21] : memref<1x736x128xf32, #tpu.memory_space<vmem>>, vector<1x736x96xf32>
    %swap3A_23 = vector.shape_cast %swap3A_22 : vector<1x736x96xf32> to vector<736x96xf32>
    %swap3A_24 = vector.shape_cast %broadcast_in_dim3A_18 : vector<736x96xf32> to vector<1x736x96xf32>
    tpu.vector_store %arg30[%swap3A_19, %swap3A_20, %swap3A_21], %swap3A_24 {strides = array<i32>} : memref<1x736x128xf32, #tpu.memory_space<vmem>>, vector<1x736x96xf32>,
    %scan3A_25 = arith.constant 0 : i32
    %scan3A_26 = arith.constant 23 : i32
    %scan3A_27 = arith.addi %scan3A_25, %scan3A_26 : i32
    %scan3A_28 = arith.constant 1 : i32
    scf.for %scan3A_48 = %scan3A_25 to %scan3A_27 step %scan3A_28  : i32 {
      %mul3A = arith.constant 23 : i32
      %mul3A_49 = arith.muli %arg1, %mul3A : i32
      %add3A = arith.addi %mul3A_49, %scan3A_48 : i32
      %get3A = arith.index_cast %add3A : i32 to index
      %get3A_50 = arith.constant 0 : index
      %get3A_51 = arith.constant 0 : index
      %get3A_52 = vector.load %arg33[%get3A, %get3A_50, %get3A_51] : memref<529x32x32xf32, #tpu.memory_space<vmem>>, vector<1x32x32xf32>
      %squeeze3A = vector.shape_cast %get3A_52 : vector<1x32x32xf32> to vector<32x32xf32>
      %dot_general3A = arith.constant dense<0.000000e+00> : vector<32x32xf32>
      %dot_general3A_53 = tpu.matmul %squeeze3A, %squeeze3A, %dot_general3A {dimension_numbers = #tpu.dot_dimension_numbers<[1], [1], [0], [0], [0, 0, 1, 0], [], []>, transpose_lhs_hint = false} : vector<32x32xf32>, vector<32x32xf32>, vector<32x32xf32> -> vector<32x32xf32>
      %mul3A_54 = arith.constant 32 : i32
      %mul3A_55 = arith.muli %scan3A_48, %mul3A_54 : i32
      %swap3A_56 = arith.constant 0 : index
      %swap3A_57 = arith.index_cast %mul3A_55 : i32 to index
      %swap3A_58 = arith.constant 0 : index
      %swap3A_59 = vector.load %arg30[%swap3A_56, %swap3A_57, %swap3A_58] : memref<1x736x128xf32, #tpu.memory_space<vmem>>, vector<1x32x32xf32>
      %swap3A_60 = vector.shape_cast %swap3A_59 : vector<1x32x32xf32> to vector<32x32xf32>
      %swap3A_61 = vector.shape_cast %dot_general3A_53 : vector<32x32xf32> to vector<1x32x32xf32>
      tpu.vector_store %arg30[%swap3A_56, %swap3A_57, %swap3A_58], %swap3A_61 {strides = array<i32>} : memref<1x736x128xf32, #tpu.memory_space<vmem>>, vector<1x32x32xf32>,
    }
    %scan3A_29 = arith.constant 23 : i32
    %eq3A_30 = arith.constant 0 : i32
    %eq3A_31 = arith.cmpi eq, %arg1, %eq3A_30 : i32
    %convert_element_type3A_32 = arith.extui %eq3A_31 : i1 to i32
    %cond3A_33 = arith.constant 0 : i32
    %cond3A_34 = arith.cmpi ne, %convert_element_type3A_32, %cond3A_33 : i32
    scf.if %cond3A_34 {
      %get3A = arith.constant 0 : index
      %get3A_48 = arith.constant 0 : index
      %get3A_49 = arith.constant 0 : index
      %get3A_50 = vector.load %arg20[%get3A, %get3A_48, %get3A_49] : memref<1x529x50xf32, #tpu.memory_space<vmem>>, vector<1x529x50xf32>
      %get3A_51 = vector.shape_cast %get3A_50 : vector<1x529x50xf32> to vector<529x50xf32>
      %get3A_52 = arith.constant 0 : index
      %get3A_53 = arith.constant 0 : index
      %get3A_54 = vector.load %arg21[%get3A_52, %get3A_53] : memref<50x64xf32, #tpu.memory_space<vmem>>, vector<50x64xf32>
      %dot_general3A = arith.constant dense<0.000000e+00> : vector<529x64xf32>
      %dot_general3A_55 = tpu.matmul %get3A_51, %get3A_54, %dot_general3A {dimension_numbers = #tpu.dot_dimension_numbers<[1], [0], [0], [1], [0, 0, 1, 1], [], []>, transpose_lhs_hint = false} : vector<529x50xf32>, vector<50x64xf32>, vector<529x64xf32> -> vector<529x64xf32>
      %get3A_56 = arith.constant 0 : index
      %get3A_57 = arith.constant 0 : index
      %get3A_58 = vector.load %arg22[%get3A_56, %get3A_57] : memref<1x64xf32, #tpu.memory_space<vmem>>, vector<1x64xf32>
      %add3A = vector.broadcast %get3A_58 : vector<1x64xf32> to vector<529x64xf32>
      %add3A_59 = arith.addf %dot_general3A_55, %add3A : vector<529x64xf32>
      %max3A = arith.constant 0.000000e+00 : f32
      %max3A_60 = vector.broadcast %max3A : f32 to vector<529x64xf32>
      %max3A_61 = arith.maximumf %add3A_59, %max3A_60 : vector<529x64xf32>
      %get3A_62 = arith.constant 0 : index
      %get3A_63 = arith.constant 0 : index
      %get3A_64 = vector.load %arg23[%get3A_62, %get3A_63] : memref<64x128xf32, #tpu.memory_space<vmem>>, vector<64x128xf32>
      %dot_general3A_65 = arith.constant dense<0.000000e+00> : vector<529x128xf32>
      %dot_general3A_66 = tpu.matmul %max3A_61, %get3A_64, %dot_general3A_65 {dimension_numbers = #tpu.dot_dimension_numbers<[1], [0], [0], [1], [0, 0, 1, 1], [], []>, transpose_lhs_hint = false} : vector<529x64xf32>, vector<64x128xf32>, vector<529x128xf32> -> vector<529x128xf32>
      %get3A_67 = arith.constant 0 : index
      %get3A_68 = arith.constant 0 : index
      %get3A_69 = vector.load %arg24[%get3A_67, %get3A_68] : memref<1x128xf32, #tpu.memory_space<vmem>>, vector<1x128xf32>
      %add3A_70 = vector.broadcast %get3A_69 : vector<1x128xf32> to vector<529x128xf32>
      %add3A_71 = arith.addf %dot_general3A_66, %add3A_70 : vector<529x128xf32>
      %max3A_72 = arith.constant 0.000000e+00 : f32
      %max3A_73 = vector.broadcast %max3A_72 : f32 to vector<529x128xf32>
      %max3A_74 = arith.maximumf %add3A_71, %max3A_73 : vector<529x128xf32>
      %get3A_75 = arith.constant 0 : index
      %get3A_76 = arith.constant 0 : index
      %get3A_77 = vector.load %arg25[%get3A_75, %get3A_76] : memref<128x128xf32, #tpu.memory_space<vmem>>, vector<128x128xf32>
      %dot_general3A_78 = arith.constant dense<0.000000e+00> : vector<529x128xf32>
      %dot_general3A_79 = tpu.matmul %max3A_74, %get3A_77, %dot_general3A_78 {dimension_numbers = #tpu.dot_dimension_numbers<[1], [0], [0], [1], [0, 0, 1, 1], [], []>, transpose_lhs_hint = false} : vector<529x128xf32>, vector<128x128xf32>, vector<529x128xf32> -> vector<529x128xf32>
      %get3A_80 = arith.constant 0 : index
      %get3A_81 = arith.constant 0 : index
      %get3A_82 = vector.load %arg26[%get3A_80, %get3A_81] : memref<1x128xf32, #tpu.memory_space<vmem>>, vector<1x128xf32>
      %add3A_83 = vector.broadcast %get3A_82 : vector<1x128xf32> to vector<529x128xf32>
      %add3A_84 = arith.addf %dot_general3A_79, %add3A_83 : vector<529x128xf32>
      %max3A_85 = arith.constant 0.000000e+00 : f32
      %max3A_86 = vector.broadcast %max3A_85 : f32 to vector<529x128xf32>
      %max3A_87 = arith.maximumf %add3A_84, %max3A_86 : vector<529x128xf32>
      %get3A_88 = arith.constant 0 : index
      %get3A_89 = arith.constant 0 : index
      %get3A_90 = vector.load %arg27[%get3A_88, %get3A_89] : memref<128x2628xf32, #tpu.memory_space<vmem>>, vector<128x2628xf32>
      %dot_general3A_91 = arith.constant dense<0.000000e+00> : vector<529x2628xf32>
      %dot_general3A_92 = tpu.matmul %max3A_87, %get3A_90, %dot_general3A_91 {dimension_numbers = #tpu.dot_dimension_numbers<[1], [0], [0], [1], [0, 0, 1, 1], [], []>, transpose_lhs_hint = false} : vector<529x128xf32>, vector<128x2628xf32>, vector<529x2628xf32> -> vector<529x2628xf32>
      %get3A_93 = arith.constant 0 : index
      %get3A_94 = arith.constant 0 : index
      %get3A_95 = vector.load %arg28[%get3A_93, %get3A_94] : memref<1x2628xf32, #tpu.memory_space<vmem>>, vector<1x2628xf32>
      %gt3A = arith.constant 5.000000e-01 : f32
      %gt3A_96 = vector.broadcast %gt3A : f32 to vector<1x2628xf32>
      %gt3A_97 = arith.cmpf ogt, %get3A_95, %gt3A_96 : vector<1x2628xf32>
      %max3A_98 = arith.constant 0.000000e+00 : f32
      %max3A_99 = vector.broadcast %max3A_98 : f32 to vector<529x2628xf32>
      %max3A_100 = arith.maximumf %dot_general3A_92, %max3A_99 : vector<529x2628xf32>
      %broadcast_in_dim3A_101 = vector.shape_cast %gt3A_97 : vector<1x2628xi1> to vector<1x2628xi1>
      %broadcast_in_dim3A_102 = vector.broadcast %broadcast_in_dim3A_101 : vector<1x2628xi1> to vector<529x2628xi1>
      %select_n3A = arith.select %broadcast_in_dim3A_102, %max3A_100, %dot_general3A_92 : vector<529x2628xi1>, vector<529x2628xf32>
      %broadcast_in_dim3A_103 = arith.constant 0.000000e+00 : f32
      %broadcast_in_dim3A_104 = vector.broadcast %broadcast_in_dim3A_103 : f32 to vector<529x72x72xf32>
      %swap3A_105 = arith.constant 0 : index
      %swap3A_106 = arith.constant 0 : index
      %swap3A_107 = arith.constant 0 : index
      %swap3A_108 = vector.load %arg34[%swap3A_105, %swap3A_106, %swap3A_107] : memref<529x72x72xf32, #tpu.memory_space<vmem>>, vector<529x72x72xf32>
      tpu.vector_store %arg34[%swap3A_105, %swap3A_106, %swap3A_107], %broadcast_in_dim3A_104 {strides = array<i32>} : memref<529x72x72xf32, #tpu.memory_space<vmem>>, vector<529x72x72xf32>,
      %slice3A = vector.extract_strided_slice %select_n3A {offsets = [0, 0], sizes = [529, 1], strides = [1, 1]} : vector<529x2628xf32> to vector<529x1xf32>
      %swap3A_109 = arith.constant 0 : index
      %swap3A_110 = arith.constant 0 : index
      %swap3A_111 = arith.constant 0 : index
      %swap3A_112 = vector.load %arg34[%swap3A_109, %swap3A_110, %swap3A_111] : memref<529x72x72xf32, #tpu.memory_space<vmem>>, vector<529x1x1xf32>
      %swap3A_113 = vector.shape_cast %swap3A_112 : vector<529x1x1xf32> to vector<529x1xf32>
      %swap3A_114 = vector.shape_cast %slice3A : vector<529x1xf32> to vector<529x1x1xf32>
      tpu.vector_store %arg34[%swap3A_109, %swap3A_110, %swap3A_111], %swap3A_114 {strides = array<i32>} : memref<529x72x72xf32, #tpu.memory_space<vmem>>, vector<529x1x1xf32>,
      %slice3A_115 = vector.extract_strided_slice %select_n3A {offsets = [0, 1], sizes = [529, 2], strides = [1, 1]} : vector<529x2628xf32> to vector<529x2xf32>
      %swap3A_116 = arith.constant 0 : index
      %swap3A_117 = arith.constant 1 : index
      %swap3A_118 = arith.constant 0 : index
      %swap3A_119 = vector.load %arg34[%swap3A_116, %swap3A_117, %swap3A_118] : memref<529x72x72xf32, #tpu.memory_space<vmem>>, vector<529x1x2xf32>
      %swap3A_120 = vector.shape_cast %swap3A_119 : vector<529x1x2xf32> to vector<529x2xf32>
      %swap3A_121 = vector.shape_cast %slice3A_115 : vector<529x2xf32> to vector<529x1x2xf32>
      tpu.vector_store %arg34[%swap3A_116, %swap3A_117, %swap3A_118], %swap3A_121 {strides = array<i32>} : memref<529x72x72xf32, #tpu.memory_space<vmem>>, vector<529x1x2xf32>,
      %slice3A_122 = vector.extract_strided_slice %select_n3A {offsets = [0, 3], sizes = [529, 3], strides = [1, 1]} : vector<529x2628xf32> to vector<529x3xf32>
      %swap3A_123 = arith.constant 0 : index
      %swap3A_124 = arith.constant 2 : index
      %swap3A_125 = arith.constant 0 : index
      %swap3A_126 = vector.load %arg34[%swap3A_123, %swap3A_124, %swap3A_125] : memref<529x72x72xf32, #tpu.memory_space<vmem>>, vector<529x1x3xf32>
      %swap3A_127 = vector.shape_cast %swap3A_126 : vector<529x1x3xf32> to vector<529x3xf32>
      %swap3A_128 = vector.shape_cast %slice3A_122 : vector<529x3xf32> to vector<529x1x3xf32>
      tpu.vector_store %arg34[%swap3A_123, %swap3A_124, %swap3A_125], %swap3A_128 {strides = array<i32>} : memref<529x72x72xf32, #tpu.memory_space<vmem>>, vector<529x1x3xf32>,
      %slice3A_129 = vector.extract_strided_slice %select_n3A {offsets = [0, 6], sizes = [529, 4], strides = [1, 1]} : vector<529x2628xf32> to vector<529x4xf32>
      %swap3A_130 = arith.constant 0 : index
      %swap3A_131 = arith.constant 3 : index
      %swap3A_132 = arith.constant 0 : index
      %swap3A_133 = vector.load %arg34[%swap3A_130, %swap3A_131, %swap3A_132] : memref<529x72x72xf32, #tpu.memory_space<vmem>>, vector<529x1x4xf32>
      %swap3A_134 = vector.shape_cast %swap3A_133 : vector<529x1x4xf32> to vector<529x4xf32>
      %swap3A_135 = vector.shape_cast %slice3A_129 : vector<529x4xf32> to vector<529x1x4xf32>
      tpu.vector_store %arg34[%swap3A_130, %swap3A_131, %swap3A_132], %swap3A_135 {strides = array<i32>} : memref<529x72x72xf32, #tpu.memory_space<vmem>>, vector<529x1x4xf32>,
      %slice3A_136 = vector.extract_strided_slice %select_n3A {offsets = [0, 10], sizes = [529, 5], strides = [1, 1]} : vector<529x2628xf32> to vector<529x5xf32>
      %swap3A_137 = arith.constant 0 : index
      %swap3A_138 = arith.constant 4 : index
      %swap3A_139 = arith.constant 0 : index
      %swap3A_140 = vector.load %arg34[%swap3A_137, %swap3A_138, %swap3A_139] : memref<529x72x72xf32, #tpu.memory_space<vmem>>, vector<529x1x5xf32>
      %swap3A_141 = vector.shape_cast %swap3A_140 : vector<529x1x5xf32> to vector<529x5xf32>
      %swap3A_142 = vector.shape_cast %slice3A_136 : vector<529x5xf32> to vector<529x1x5xf32>
      tpu.vector_store %arg34[%swap3A_137, %swap3A_138, %swap3A_139], %swap3A_142 {strides = array<i32>} : memref<529x72x72xf32, #tpu.memory_space<vmem>>, vector<529x1x5xf32>,
      %slice3A_143 = vector.extract_strided_slice %select_n3A {offsets = [0, 15], sizes = [529, 6], strides = [1, 1]} : vector<529x2628xf32> to vector<529x6xf32>
      %swap3A_144 = arith.constant 0 : index
      %swap3A_145 = arith.constant 5 : index
      %swap3A_146 = arith.constant 0 : index
      %swap3A_147 = vector.load %arg34[%swap3A_144, %swap3A_145, %swap3A_146] : memref<529x72x72xf32, #tpu.memory_space<vmem>>, vector<529x1x6xf32>
      %swap3A_148 = vector.shape_cast %swap3A_147 : vector<529x1x6xf32> to vector<529x6xf32>
      %swap3A_149 = vector.shape_cast %slice3A_143 : vector<529x6xf32> to vector<529x1x6xf32>
      tpu.vector_store %arg34[%swap3A_144, %swap3A_145, %swap3A_146], %swap3A_149 {strides = array<i32>} : memref<529x72x72xf32, #tpu.memory_space<vmem>>, vector<529x1x6xf32>,
      %slice3A_150 = vector.extract_strided_slice %select_n3A {offsets = [0, 21], sizes = [529, 7], strides = [1, 1]} : vector<529x2628xf32> to vector<529x7xf32>
      %swap3A_151 = arith.constant 0 : index
      %swap3A_152 = arith.constant 6 : index
      %swap3A_153 = arith.constant 0 : index
      %swap3A_154 = vector.load %arg34[%swap3A_151, %swap3A_152, %swap3A_153] : memref<529x72x72xf32, #tpu.memory_space<vmem>>, vector<529x1x7xf32>
      %swap3A_155 = vector.shape_cast %swap3A_154 : vector<529x1x7xf32> to vector<529x7xf32>
      %swap3A_156 = vector.shape_cast %slice3A_150 : vector<529x7xf32> to vector<529x1x7xf32>
      tpu.vector_store %arg34[%swap3A_151, %swap3A_152, %swap3A_153], %swap3A_156 {strides = array<i32>} : memref<529x72x72xf32, #tpu.memory_space<vmem>>, vector<529x1x7xf32>,
      %slice3A_157 = vector.extract_strided_slice %select_n3A {offsets = [0, 28], sizes = [529, 8], strides = [1, 1]} : vector<529x2628xf32> to vector<529x8xf32>
      %swap3A_158 = arith.constant 0 : index
      %swap3A_159 = arith.constant 7 : index
      %swap3A_160 = arith.constant 0 : index
      %swap3A_161 = vector.load %arg34[%swap3A_158, %swap3A_159, %swap3A_160] : memref<529x72x72xf32, #tpu.memory_space<vmem>>, vector<529x1x8xf32>
      %swap3A_162 = vector.shape_cast %swap3A_161 : vector<529x1x8xf32> to vector<529x8xf32>
      %swap3A_163 = vector.shape_cast %slice3A_157 : vector<529x8xf32> to vector<529x1x8xf32>
      tpu.vector_store %arg34[%swap3A_158, %swap3A_159, %swap3A_160], %swap3A_163 {strides = array<i32>} : memref<529x72x72xf32, #tpu.memory_space<vmem>>, vector<529x1x8xf32>,
      %slice3A_164 = vector.extract_strided_slice %select_n3A {offsets = [0, 36], sizes = [529, 9], strides = [1, 1]} : vector<529x2628xf32> to vector<529x9xf32>
      %swap3A_165 = arith.constant 0 : index
      %swap3A_166 = arith.constant 8 : index
      %swap3A_167 = arith.constant 0 : index
      %swap3A_168 = vector.load %arg34[%swap3A_165, %swap3A_166, %swap3A_167] : memref<529x72x72xf32, #tpu.memory_space<vmem>>, vector<529x1x9xf32>
      %swap3A_169 = vector.shape_cast %swap3A_168 : vector<529x1x9xf32> to vector<529x9xf32>
      %swap3A_170 = vector.shape_cast %slice3A_164 : vector<529x9xf32> to vector<529x1x9xf32>
      tpu.vector_store %arg34[%swap3A_165, %swap3A_166, %swap3A_167], %swap3A_170 {strides = array<i32>} : memref<529x72x72xf32, #tpu.memory_space<vmem>>, vector<529x1x9xf32>,
      %slice3A_171 = vector.extract_strided_slice %select_n3A {offsets = [0, 45], sizes = [529, 10], strides = [1, 1]} : vector<529x2628xf32> to vector<529x10xf32>
      %swap3A_172 = arith.constant 0 : index
      %swap3A_173 = arith.constant 9 : index
      %swap3A_174 = arith.constant 0 : index
      %swap3A_175 = vector.load %arg34[%swap3A_172, %swap3A_173, %swap3A_174] : memref<529x72x72xf32, #tpu.memory_space<vmem>>, vector<529x1x10xf32>
      %swap3A_176 = vector.shape_cast %swap3A_175 : vector<529x1x10xf32> to vector<529x10xf32>
      %swap3A_177 = vector.shape_cast %slice3A_171 : vector<529x10xf32> to vector<529x1x10xf32>
      tpu.vector_store %arg34[%swap3A_172, %swap3A_173, %swap3A_174], %swap3A_177 {strides = array<i32>} : memref<529x72x72xf32, #tpu.memory_space<vmem>>, vector<529x1x10xf32>,
      %slice3A_178 = vector.extract_strided_slice %select_n3A {offsets = [0, 55], sizes = [529, 11], strides = [1, 1]} : vector<529x2628xf32> to vector<529x11xf32>
      %swap3A_179 = arith.constant 0 : index
      %swap3A_180 = arith.constant 10 : index
      %swap3A_181 = arith.constant 0 : index
      %swap3A_182 = vector.load %arg34[%swap3A_179, %swap3A_180, %swap3A_181] : memref<529x72x72xf32, #tpu.memory_space<vmem>>, vector<529x1x11xf32>
      %swap3A_183 = vector.shape_cast %swap3A_182 : vector<529x1x11xf32> to vector<529x11xf32>
      %swap3A_184 = vector.shape_cast %slice3A_178 : vector<529x11xf32> to vector<529x1x11xf32>
      tpu.vector_store %arg34[%swap3A_179, %swap3A_180, %swap3A_181], %swap3A_184 {strides = array<i32>} : memref<529x72x72xf32, #tpu.memory_space<vmem>>, vector<529x1x11xf32>,
      %slice3A_185 = vector.extract_strided_slice %select_n3A {offsets = [0, 66], sizes = [529, 12], strides = [1, 1]} : vector<529x2628xf32> to vector<529x12xf32>
      %swap3A_186 = arith.constant 0 : index
      %swap3A_187 = arith.constant 11 : index
      %swap3A_188 = arith.constant 0 : index
      %swap3A_189 = vector.load %arg34[%swap3A_186, %swap3A_187, %swap3A_188] : memref<529x72x72xf32, #tpu.memory_space<vmem>>, vector<529x1x12xf32>
      %swap3A_190 = vector.shape_cast %swap3A_189 : vector<529x1x12xf32> to vector<529x12xf32>
      %swap3A_191 = vector.shape_cast %slice3A_185 : vector<529x12xf32> to vector<529x1x12xf32>
      tpu.vector_store %arg34[%swap3A_186, %swap3A_187, %swap3A_188], %swap3A_191 {strides = array<i32>} : memref<529x72x72xf32, #tpu.memory_space<vmem>>, vector<529x1x12xf32>,
      %slice3A_192 = vector.extract_strided_slice %select_n3A {offsets = [0, 78], sizes = [529, 13], strides = [1, 1]} : vector<529x2628xf32> to vector<529x13xf32>
      %swap3A_193 = arith.constant 0 : index
      %swap3A_194 = arith.constant 12 : index
      %swap3A_195 = arith.constant 0 : index
      %swap3A_196 = vector.load %arg34[%swap3A_193, %swap3A_194, %swap3A_195] : memref<529x72x72xf32, #tpu.memory_space<vmem>>, vector<529x1x13xf32>
      %swap3A_197 = vector.shape_cast %swap3A_196 : vector<529x1x13xf32> to vector<529x13xf32>
      %swap3A_198 = vector.shape_cast %slice3A_192 : vector<529x13xf32> to vector<529x1x13xf32>
      tpu.vector_store %arg34[%swap3A_193, %swap3A_194, %swap3A_195], %swap3A_198 {strides = array<i32>} : memref<529x72x72xf32, #tpu.memory_space<vmem>>, vector<529x1x13xf32>,
      %slice3A_199 = vector.extract_strided_slice %select_n3A {offsets = [0, 91], sizes = [529, 14], strides = [1, 1]} : vector<529x2628xf32> to vector<529x14xf32>
      %swap3A_200 = arith.constant 0 : index
      %swap3A_201 = arith.constant 13 : index
      %swap3A_202 = arith.constant 0 : index
      %swap3A_203 = vector.load %arg34[%swap3A_200, %swap3A_201, %swap3A_202] : memref<529x72x72xf32, #tpu.memory_space<vmem>>, vector<529x1x14xf32>
      %swap3A_204 = vector.shape_cast %swap3A_203 : vector<529x1x14xf32> to vector<529x14xf32>
      %swap3A_205 = vector.shape_cast %slice3A_199 : vector<529x14xf32> to vector<529x1x14xf32>
      tpu.vector_store %arg34[%swap3A_200, %swap3A_201, %swap3A_202], %swap3A_205 {strides = array<i32>} : memref<529x72x72xf32, #tpu.memory_space<vmem>>, vector<529x1x14xf32>,
      %slice3A_206 = vector.extract_strided_slice %select_n3A {offsets = [0, 105], sizes = [529, 15], strides = [1, 1]} : vector<529x2628xf32> to vector<529x15xf32>
      %swap3A_207 = arith.constant 0 : index
      %swap3A_208 = arith.constant 14 : index
      %swap3A_209 = arith.constant 0 : index
      %swap3A_210 = vector.load %arg34[%swap3A_207, %swap3A_208, %swap3A_209] : memref<529x72x72xf32, #tpu.memory_space<vmem>>, vector<529x1x15xf32>
      %swap3A_211 = vector.shape_cast %swap3A_210 : vector<529x1x15xf32> to vector<529x15xf32>
      %swap3A_212 = vector.shape_cast %slice3A_206 : vector<529x15xf32> to vector<529x1x15xf32>
      tpu.vector_store %arg34[%swap3A_207, %swap3A_208, %swap3A_209], %swap3A_212 {strides = array<i32>} : memref<529x72x72xf32, #tpu.memory_space<vmem>>, vector<529x1x15xf32>,
      %slice3A_213 = vector.extract_strided_slice %select_n3A {offsets = [0, 120], sizes = [529, 16], strides = [1, 1]} : vector<529x2628xf32> to vector<529x16xf32>
      %swap3A_214 = arith.constant 0 : index
      %swap3A_215 = arith.constant 15 : index
      %swap3A_216 = arith.constant 0 : index
      %swap3A_217 = vector.load %arg34[%swap3A_214, %swap3A_215, %swap3A_216] : memref<529x72x72xf32, #tpu.memory_space<vmem>>, vector<529x1x16xf32>
      %swap3A_218 = vector.shape_cast %swap3A_217 : vector<529x1x16xf32> to vector<529x16xf32>
      %swap3A_219 = vector.shape_cast %slice3A_213 : vector<529x16xf32> to vector<529x1x16xf32>
      tpu.vector_store %arg34[%swap3A_214, %swap3A_215, %swap3A_216], %swap3A_219 {strides = array<i32>} : memref<529x72x72xf32, #tpu.memory_space<vmem>>, vector<529x1x16xf32>,
      %slice3A_220 = vector.extract_strided_slice %select_n3A {offsets = [0, 136], sizes = [529, 17], strides = [1, 1]} : vector<529x2628xf32> to vector<529x17xf32>
      %swap3A_221 = arith.constant 0 : index
      %swap3A_222 = arith.constant 16 : index
      %swap3A_223 = arith.constant 0 : index
      %swap3A_224 = vector.load %arg34[%swap3A_221, %swap3A_222, %swap3A_223] : memref<529x72x72xf32, #tpu.memory_space<vmem>>, vector<529x1x17xf32>
      %swap3A_225 = vector.shape_cast %swap3A_224 : vector<529x1x17xf32> to vector<529x17xf32>
      %swap3A_226 = vector.shape_cast %slice3A_220 : vector<529x17xf32> to vector<529x1x17xf32>
      tpu.vector_store %arg34[%swap3A_221, %swap3A_222, %swap3A_223], %swap3A_226 {strides = array<i32>} : memref<529x72x72xf32, #tpu.memory_space<vmem>>, vector<529x1x17xf32>,
      %slice3A_227 = vector.extract_strided_slice %select_n3A {offsets = [0, 153], sizes = [529, 18], strides = [1, 1]} : vector<529x2628xf32> to vector<529x18xf32>
      %swap3A_228 = arith.constant 0 : index
      %swap3A_229 = arith.constant 17 : index
      %swap3A_230 = arith.constant 0 : index
      %swap3A_231 = vector.load %arg34[%swap3A_228, %swap3A_229, %swap3A_230] : memref<529x72x72xf32, #tpu.memory_space<vmem>>, vector<529x1x18xf32>
      %swap3A_232 = vector.shape_cast %swap3A_231 : vector<529x1x18xf32> to vector<529x18xf32>
      %swap3A_233 = vector.shape_cast %slice3A_227 : vector<529x18xf32> to vector<529x1x18xf32>
      tpu.vector_store %arg34[%swap3A_228, %swap3A_229, %swap3A_230], %swap3A_233 {strides = array<i32>} : memref<529x72x72xf32, #tpu.memory_space<vmem>>, vector<529x1x18xf32>,
      %slice3A_234 = vector.extract_strided_slice %select_n3A {offsets = [0, 171], sizes = [529, 19], strides = [1, 1]} : vector<529x2628xf32> to vector<529x19xf32>
      %swap3A_235 = arith.constant 0 : index
      %swap3A_236 = arith.constant 18 : index
      %swap3A_237 = arith.constant 0 : index
      %swap3A_238 = vector.load %arg34[%swap3A_235, %swap3A_236, %swap3A_237] : memref<529x72x72xf32, #tpu.memory_space<vmem>>, vector<529x1x19xf32>
      %swap3A_239 = vector.shape_cast %swap3A_238 : vector<529x1x19xf32> to vector<529x19xf32>
      %swap3A_240 = vector.shape_cast %slice3A_234 : vector<529x19xf32> to vector<529x1x19xf32>
      tpu.vector_store %arg34[%swap3A_235, %swap3A_236, %swap3A_237], %swap3A_240 {strides = array<i32>} : memref<529x72x72xf32, #tpu.memory_space<vmem>>, vector<529x1x19xf32>,
      %slice3A_241 = vector.extract_strided_slice %select_n3A {offsets = [0, 190], sizes = [529, 20], strides = [1, 1]} : vector<529x2628xf32> to vector<529x20xf32>
      %swap3A_242 = arith.constant 0 : index
      %swap3A_243 = arith.constant 19 : index
      %swap3A_244 = arith.constant 0 : index
      %swap3A_245 = vector.load %arg34[%swap3A_242, %swap3A_243, %swap3A_244] : memref<529x72x72xf32, #tpu.memory_space<vmem>>, vector<529x1x20xf32>
      %swap3A_246 = vector.shape_cast %swap3A_245 : vector<529x1x20xf32> to vector<529x20xf32>
      %swap3A_247 = vector.shape_cast %slice3A_241 : vector<529x20xf32> to vector<529x1x20xf32>
      tpu.vector_store %arg34[%swap3A_242, %swap3A_243, %swap3A_244], %swap3A_247 {strides = array<i32>} : memref<529x72x72xf32, #tpu.memory_space<vmem>>, vector<529x1x20xf32>,
      %slice3A_248 = vector.extract_strided_slice %select_n3A {offsets = [0, 210], sizes = [529, 21], strides = [1, 1]} : vector<529x2628xf32> to vector<529x21xf32>
      %swap3A_249 = arith.constant 0 : index
      %swap3A_250 = arith.constant 20 : index
      %swap3A_251 = arith.constant 0 : index
      %swap3A_252 = vector.load %arg34[%swap3A_249, %swap3A_250, %swap3A_251] : memref<529x72x72xf32, #tpu.memory_space<vmem>>, vector<529x1x21xf32>
      %swap3A_253 = vector.shape_cast %swap3A_252 : vector<529x1x21xf32> to vector<529x21xf32>
      %swap3A_254 = vector.shape_cast %slice3A_248 : vector<529x21xf32> to vector<529x1x21xf32>
      tpu.vector_store %arg34[%swap3A_249, %swap3A_250, %swap3A_251], %swap3A_254 {strides = array<i32>} : memref<529x72x72xf32, #tpu.memory_space<vmem>>, vector<529x1x21xf32>,
      %slice3A_255 = vector.extract_strided_slice %select_n3A {offsets = [0, 231], sizes = [529, 22], strides = [1, 1]} : vector<529x2628xf32> to vector<529x22xf32>
      %swap3A_256 = arith.constant 0 : index
      %swap3A_257 = arith.constant 21 : index
      %swap3A_258 = arith.constant 0 : index
      %swap3A_259 = vector.load %arg34[%swap3A_256, %swap3A_257, %swap3A_258] : memref<529x72x72xf32, #tpu.memory_space<vmem>>, vector<529x1x22xf32>
      %swap3A_260 = vector.shape_cast %swap3A_259 : vector<529x1x22xf32> to vector<529x22xf32>
      %swap3A_261 = vector.shape_cast %slice3A_255 : vector<529x22xf32> to vector<529x1x22xf32>
      tpu.vector_store %arg34[%swap3A_256, %swap3A_257, %swap3A_258], %swap3A_261 {strides = array<i32>} : memref<529x72x72xf32, #tpu.memory_space<vmem>>, vector<529x1x22xf32>,
      %slice3A_262 = vector.extract_strided_slice %select_n3A {offsets = [0, 253], sizes = [529, 23], strides = [1, 1]} : vector<529x2628xf32> to vector<529x23xf32>
      %swap3A_263 = arith.constant 0 : index
      %swap3A_264 = arith.constant 22 : index
      %swap3A_265 = arith.constant 0 : index
      %swap3A_266 = vector.load %arg34[%swap3A_263, %swap3A_264, %swap3A_265] : memref<529x72x72xf32, #tpu.memory_space<vmem>>, vector<529x1x23xf32>
      %swap3A_267 = vector.shape_cast %swap3A_266 : vector<529x1x23xf32> to vector<529x23xf32>
      %swap3A_268 = vector.shape_cast %slice3A_262 : vector<529x23xf32> to vector<529x1x23xf32>
      tpu.vector_store %arg34[%swap3A_263, %swap3A_264, %swap3A_265], %swap3A_268 {strides = array<i32>} : memref<529x72x72xf32, #tpu.memory_space<vmem>>, vector<529x1x23xf32>,
      %slice3A_269 = vector.extract_strided_slice %select_n3A {offsets = [0, 276], sizes = [529, 24], strides = [1, 1]} : vector<529x2628xf32> to vector<529x24xf32>
      %swap3A_270 = arith.constant 0 : index
      %swap3A_271 = arith.constant 23 : index
      %swap3A_272 = arith.constant 0 : index
      %swap3A_273 = vector.load %arg34[%swap3A_270, %swap3A_271, %swap3A_272] : memref<529x72x72xf32, #tpu.memory_space<vmem>>, vector<529x1x24xf32>
      %swap3A_274 = vector.shape_cast %swap3A_273 : vector<529x1x24xf32> to vector<529x24xf32>
      %swap3A_275 = vector.shape_cast %slice3A_269 : vector<529x24xf32> to vector<529x1x24xf32>
      tpu.vector_store %arg34[%swap3A_270, %swap3A_271, %swap3A_272], %swap3A_275 {strides = array<i32>} : memref<529x72x72xf32, #tpu.memory_space<vmem>>, vector<529x1x24xf32>,
      %slice3A_276 = vector.extract_strided_slice %select_n3A {offsets = [0, 300], sizes = [529, 25], strides = [1, 1]} : vector<529x2628xf32> to vector<529x25xf32>
      %swap3A_277 = arith.constant 0 : index
      %swap3A_278 = arith.constant 24 : index
      %swap3A_279 = arith.constant 0 : index
      %swap3A_280 = vector.load %arg34[%swap3A_277, %swap3A_278, %swap3A_279] : memref<529x72x72xf32, #tpu.memory_space<vmem>>, vector<529x1x25xf32>
      %swap3A_281 = vector.shape_cast %swap3A_280 : vector<529x1x25xf32> to vector<529x25xf32>
      %swap3A_282 = vector.shape_cast %slice3A_276 : vector<529x25xf32> to vector<529x1x25xf32>
      tpu.vector_store %arg34[%swap3A_277, %swap3A_278, %swap3A_279], %swap3A_282 {strides = array<i32>} : memref<529x72x72xf32, #tpu.memory_space<vmem>>, vector<529x1x25xf32>,
      %slice3A_283 = vector.extract_strided_slice %select_n3A {offsets = [0, 325], sizes = [529, 26], strides = [1, 1]} : vector<529x2628xf32> to vector<529x26xf32>
      %swap3A_284 = arith.constant 0 : index
      %swap3A_285 = arith.constant 25 : index
      %swap3A_286 = arith.constant 0 : index
      %swap3A_287 = vector.load %arg34[%swap3A_284, %swap3A_285, %swap3A_286] : memref<529x72x72xf32, #tpu.memory_space<vmem>>, vector<529x1x26xf32>
      %swap3A_288 = vector.shape_cast %swap3A_287 : vector<529x1x26xf32> to vector<529x26xf32>
      %swap3A_289 = vector.shape_cast %slice3A_283 : vector<529x26xf32> to vector<529x1x26xf32>
      tpu.vector_store %arg34[%swap3A_284, %swap3A_285, %swap3A_286], %swap3A_289 {strides = array<i32>} : memref<529x72x72xf32, #tpu.memory_space<vmem>>, vector<529x1x26xf32>,
      %slice3A_290 = vector.extract_strided_slice %select_n3A {offsets = [0, 351], sizes = [529, 27], strides = [1, 1]} : vector<529x2628xf32> to vector<529x27xf32>
      %swap3A_291 = arith.constant 0 : index
      %swap3A_292 = arith.constant 26 : index
      %swap3A_293 = arith.constant 0 : index
      %swap3A_294 = vector.load %arg34[%swap3A_291, %swap3A_292, %swap3A_293] : memref<529x72x72xf32, #tpu.memory_space<vmem>>, vector<529x1x27xf32>
      %swap3A_295 = vector.shape_cast %swap3A_294 : vector<529x1x27xf32> to vector<529x27xf32>
      %swap3A_296 = vector.shape_cast %slice3A_290 : vector<529x27xf32> to vector<529x1x27xf32>
      tpu.vector_store %arg34[%swap3A_291, %swap3A_292, %swap3A_293], %swap3A_296 {strides = array<i32>} : memref<529x72x72xf32, #tpu.memory_space<vmem>>, vector<529x1x27xf32>,
      %slice3A_297 = vector.extract_strided_slice %select_n3A {offsets = [0, 378], sizes = [529, 28], strides = [1, 1]} : vector<529x2628xf32> to vector<529x28xf32>
      %swap3A_298 = arith.constant 0 : index
      %swap3A_299 = arith.constant 27 : index
      %swap3A_300 = arith.constant 0 : index
      %swap3A_301 = vector.load %arg34[%swap3A_298, %swap3A_299, %swap3A_300] : memref<529x72x72xf32, #tpu.memory_space<vmem>>, vector<529x1x28xf32>
      %swap3A_302 = vector.shape_cast %swap3A_301 : vector<529x1x28xf32> to vector<529x28xf32>
      %swap3A_303 = vector.shape_cast %slice3A_297 : vector<529x28xf32> to vector<529x1x28xf32>
      tpu.vector_store %arg34[%swap3A_298, %swap3A_299, %swap3A_300], %swap3A_303 {strides = array<i32>} : memref<529x72x72xf32, #tpu.memory_space<vmem>>, vector<529x1x28xf32>,
      %slice3A_304 = vector.extract_strided_slice %select_n3A {offsets = [0, 406], sizes = [529, 29], strides = [1, 1]} : vector<529x2628xf32> to vector<529x29xf32>
      %swap3A_305 = arith.constant 0 : index
      %swap3A_306 = arith.constant 28 : index
      %swap3A_307 = arith.constant 0 : index
      %swap3A_308 = vector.load %arg34[%swap3A_305, %swap3A_306, %swap3A_307] : memref<529x72x72xf32, #tpu.memory_space<vmem>>, vector<529x1x29xf32>
      %swap3A_309 = vector.shape_cast %swap3A_308 : vector<529x1x29xf32> to vector<529x29xf32>
      %swap3A_310 = vector.shape_cast %slice3A_304 : vector<529x29xf32> to vector<529x1x29xf32>
      tpu.vector_store %arg34[%swap3A_305, %swap3A_306, %swap3A_307], %swap3A_310 {strides = array<i32>} : memref<529x72x72xf32, #tpu.memory_space<vmem>>, vector<529x1x29xf32>,
      %slice3A_311 = vector.extract_strided_slice %select_n3A {offsets = [0, 435], sizes = [529, 30], strides = [1, 1]} : vector<529x2628xf32> to vector<529x30xf32>
      %swap3A_312 = arith.constant 0 : index
      %swap3A_313 = arith.constant 29 : index
      %swap3A_314 = arith.constant 0 : index
      %swap3A_315 = vector.load %arg34[%swap3A_312, %swap3A_313, %swap3A_314] : memref<529x72x72xf32, #tpu.memory_space<vmem>>, vector<529x1x30xf32>
      %swap3A_316 = vector.shape_cast %swap3A_315 : vector<529x1x30xf32> to vector<529x30xf32>
      %swap3A_317 = vector.shape_cast %slice3A_311 : vector<529x30xf32> to vector<529x1x30xf32>
      tpu.vector_store %arg34[%swap3A_312, %swap3A_313, %swap3A_314], %swap3A_317 {strides = array<i32>} : memref<529x72x72xf32, #tpu.memory_space<vmem>>, vector<529x1x30xf32>,
      %slice3A_318 = vector.extract_strided_slice %select_n3A {offsets = [0, 465], sizes = [529, 31], strides = [1, 1]} : vector<529x2628xf32> to vector<529x31xf32>
      %swap3A_319 = arith.constant 0 : index
      %swap3A_320 = arith.constant 30 : index
      %swap3A_321 = arith.constant 0 : index
      %swap3A_322 = vector.load %arg34[%swap3A_319, %swap3A_320, %swap3A_321] : memref<529x72x72xf32, #tpu.memory_space<vmem>>, vector<529x1x31xf32>
      %swap3A_323 = vector.shape_cast %swap3A_322 : vector<529x1x31xf32> to vector<529x31xf32>
      %swap3A_324 = vector.shape_cast %slice3A_318 : vector<529x31xf32> to vector<529x1x31xf32>
      tpu.vector_store %arg34[%swap3A_319, %swap3A_320, %swap3A_321], %swap3A_324 {strides = array<i32>} : memref<529x72x72xf32, #tpu.memory_space<vmem>>, vector<529x1x31xf32>,
      %slice3A_325 = vector.extract_strided_slice %select_n3A {offsets = [0, 496], sizes = [529, 32], strides = [1, 1]} : vector<529x2628xf32> to vector<529x32xf32>
      %swap3A_326 = arith.constant 0 : index
      %swap3A_327 = arith.constant 31 : index
      %swap3A_328 = arith.constant 0 : index
      %swap3A_329 = vector.load %arg34[%swap3A_326, %swap3A_327, %swap3A_328] : memref<529x72x72xf32, #tpu.memory_space<vmem>>, vector<529x1x32xf32>
      %swap3A_330 = vector.shape_cast %swap3A_329 : vector<529x1x32xf32> to vector<529x32xf32>
      %swap3A_331 = vector.shape_cast %slice3A_325 : vector<529x32xf32> to vector<529x1x32xf32>
      tpu.vector_store %arg34[%swap3A_326, %swap3A_327, %swap3A_328], %swap3A_331 {strides = array<i32>} : memref<529x72x72xf32, #tpu.memory_space<vmem>>, vector<529x1x32xf32>,
      %slice3A_332 = vector.extract_strided_slice %select_n3A {offsets = [0, 528], sizes = [529, 33], strides = [1, 1]} : vector<529x2628xf32> to vector<529x33xf32>
      %swap3A_333 = arith.constant 0 : index
      %swap3A_334 = arith.constant 32 : index
      %swap3A_335 = arith.constant 0 : index
      %swap3A_336 = vector.load %arg34[%swap3A_333, %swap3A_334, %swap3A_335] : memref<529x72x72xf32, #tpu.memory_space<vmem>>, vector<529x1x33xf32>
      %swap3A_337 = vector.shape_cast %swap3A_336 : vector<529x1x33xf32> to vector<529x33xf32>
      %swap3A_338 = vector.shape_cast %slice3A_332 : vector<529x33xf32> to vector<529x1x33xf32>
      tpu.vector_store %arg34[%swap3A_333, %swap3A_334, %swap3A_335], %swap3A_338 {strides = array<i32>} : memref<529x72x72xf32, #tpu.memory_space<vmem>>, vector<529x1x33xf32>,
      %slice3A_339 = vector.extract_strided_slice %select_n3A {offsets = [0, 561], sizes = [529, 34], strides = [1, 1]} : vector<529x2628xf32> to vector<529x34xf32>
      %swap3A_340 = arith.constant 0 : index
      %swap3A_341 = arith.constant 33 : index
      %swap3A_342 = arith.constant 0 : index
      %swap3A_343 = vector.load %arg34[%swap3A_340, %swap3A_341, %swap3A_342] : memref<529x72x72xf32, #tpu.memory_space<vmem>>, vector<529x1x34xf32>
      %swap3A_344 = vector.shape_cast %swap3A_343 : vector<529x1x34xf32> to vector<529x34xf32>
      %swap3A_345 = vector.shape_cast %slice3A_339 : vector<529x34xf32> to vector<529x1x34xf32>
      tpu.vector_store %arg34[%swap3A_340, %swap3A_341, %swap3A_342], %swap3A_345 {strides = array<i32>} : memref<529x72x72xf32, #tpu.memory_space<vmem>>, vector<529x1x34xf32>,
      %slice3A_346 = vector.extract_strided_slice %select_n3A {offsets = [0, 595], sizes = [529, 35], strides = [1, 1]} : vector<529x2628xf32> to vector<529x35xf32>
      %swap3A_347 = arith.constant 0 : index
      %swap3A_348 = arith.constant 34 : index
      %swap3A_349 = arith.constant 0 : index
      %swap3A_350 = vector.load %arg34[%swap3A_347, %swap3A_348, %swap3A_349] : memref<529x72x72xf32, #tpu.memory_space<vmem>>, vector<529x1x35xf32>
      %swap3A_351 = vector.shape_cast %swap3A_350 : vector<529x1x35xf32> to vector<529x35xf32>
      %swap3A_352 = vector.shape_cast %slice3A_346 : vector<529x35xf32> to vector<529x1x35xf32>
      tpu.vector_store %arg34[%swap3A_347, %swap3A_348, %swap3A_349], %swap3A_352 {strides = array<i32>} : memref<529x72x72xf32, #tpu.memory_space<vmem>>, vector<529x1x35xf32>,
      %slice3A_353 = vector.extract_strided_slice %select_n3A {offsets = [0, 630], sizes = [529, 36], strides = [1, 1]} : vector<529x2628xf32> to vector<529x36xf32>
      %swap3A_354 = arith.constant 0 : index
      %swap3A_355 = arith.constant 35 : index
      %swap3A_356 = arith.constant 0 : index
      %swap3A_357 = vector.load %arg34[%swap3A_354, %swap3A_355, %swap3A_356] : memref<529x72x72xf32, #tpu.memory_space<vmem>>, vector<529x1x36xf32>
      %swap3A_358 = vector.shape_cast %swap3A_357 : vector<529x1x36xf32> to vector<529x36xf32>
      %swap3A_359 = vector.shape_cast %slice3A_353 : vector<529x36xf32> to vector<529x1x36xf32>
      tpu.vector_store %arg34[%swap3A_354, %swap3A_355, %swap3A_356], %swap3A_359 {strides = array<i32>} : memref<529x72x72xf32, #tpu.memory_space<vmem>>, vector<529x1x36xf32>,
      %slice3A_360 = vector.extract_strided_slice %select_n3A {offsets = [0, 666], sizes = [529, 37], strides = [1, 1]} : vector<529x2628xf32> to vector<529x37xf32>
      %swap3A_361 = arith.constant 0 : index
      %swap3A_362 = arith.constant 36 : index
      %swap3A_363 = arith.constant 0 : index
      %swap3A_364 = vector.load %arg34[%swap3A_361, %swap3A_362, %swap3A_363] : memref<529x72x72xf32, #tpu.memory_space<vmem>>, vector<529x1x37xf32>
      %swap3A_365 = vector.shape_cast %swap3A_364 : vector<529x1x37xf32> to vector<529x37xf32>
      %swap3A_366 = vector.shape_cast %slice3A_360 : vector<529x37xf32> to vector<529x1x37xf32>
      tpu.vector_store %arg34[%swap3A_361, %swap3A_362, %swap3A_363], %swap3A_366 {strides = array<i32>} : memref<529x72x72xf32, #tpu.memory_space<vmem>>, vector<529x1x37xf32>,
      %slice3A_367 = vector.extract_strided_slice %select_n3A {offsets = [0, 703], sizes = [529, 38], strides = [1, 1]} : vector<529x2628xf32> to vector<529x38xf32>
      %swap3A_368 = arith.constant 0 : index
      %swap3A_369 = arith.constant 37 : index
      %swap3A_370 = arith.constant 0 : index
      %swap3A_371 = vector.load %arg34[%swap3A_368, %swap3A_369, %swap3A_370] : memref<529x72x72xf32, #tpu.memory_space<vmem>>, vector<529x1x38xf32>
      %swap3A_372 = vector.shape_cast %swap3A_371 : vector<529x1x38xf32> to vector<529x38xf32>
      %swap3A_373 = vector.shape_cast %slice3A_367 : vector<529x38xf32> to vector<529x1x38xf32>
      tpu.vector_store %arg34[%swap3A_368, %swap3A_369, %swap3A_370], %swap3A_373 {strides = array<i32>} : memref<529x72x72xf32, #tpu.memory_space<vmem>>, vector<529x1x38xf32>,
      %slice3A_374 = vector.extract_strided_slice %select_n3A {offsets = [0, 741], sizes = [529, 39], strides = [1, 1]} : vector<529x2628xf32> to vector<529x39xf32>
      %swap3A_375 = arith.constant 0 : index
      %swap3A_376 = arith.constant 38 : index
      %swap3A_377 = arith.constant 0 : index
      %swap3A_378 = vector.load %arg34[%swap3A_375, %swap3A_376, %swap3A_377] : memref<529x72x72xf32, #tpu.memory_space<vmem>>, vector<529x1x39xf32>
      %swap3A_379 = vector.shape_cast %swap3A_378 : vector<529x1x39xf32> to vector<529x39xf32>
      %swap3A_380 = vector.shape_cast %slice3A_374 : vector<529x39xf32> to vector<529x1x39xf32>
      tpu.vector_store %arg34[%swap3A_375, %swap3A_376, %swap3A_377], %swap3A_380 {strides = array<i32>} : memref<529x72x72xf32, #tpu.memory_space<vmem>>, vector<529x1x39xf32>,
      %slice3A_381 = vector.extract_strided_slice %select_n3A {offsets = [0, 780], sizes = [529, 40], strides = [1, 1]} : vector<529x2628xf32> to vector<529x40xf32>
      %swap3A_382 = arith.constant 0 : index
      %swap3A_383 = arith.constant 39 : index
      %swap3A_384 = arith.constant 0 : index
      %swap3A_385 = vector.load %arg34[%swap3A_382, %swap3A_383, %swap3A_384] : memref<529x72x72xf32, #tpu.memory_space<vmem>>, vector<529x1x40xf32>
      %swap3A_386 = vector.shape_cast %swap3A_385 : vector<529x1x40xf32> to vector<529x40xf32>
      %swap3A_387 = vector.shape_cast %slice3A_381 : vector<529x40xf32> to vector<529x1x40xf32>
      tpu.vector_store %arg34[%swap3A_382, %swap3A_383, %swap3A_384], %swap3A_387 {strides = array<i32>} : memref<529x72x72xf32, #tpu.memory_space<vmem>>, vector<529x1x40xf32>,
      %slice3A_388 = vector.extract_strided_slice %select_n3A {offsets = [0, 820], sizes = [529, 41], strides = [1, 1]} : vector<529x2628xf32> to vector<529x41xf32>
      %swap3A_389 = arith.constant 0 : index
      %swap3A_390 = arith.constant 40 : index
      %swap3A_391 = arith.constant 0 : index
      %swap3A_392 = vector.load %arg34[%swap3A_389, %swap3A_390, %swap3A_391] : memref<529x72x72xf32, #tpu.memory_space<vmem>>, vector<529x1x41xf32>
      %swap3A_393 = vector.shape_cast %swap3A_392 : vector<529x1x41xf32> to vector<529x41xf32>
      %swap3A_394 = vector.shape_cast %slice3A_388 : vector<529x41xf32> to vector<529x1x41xf32>
      tpu.vector_store %arg34[%swap3A_389, %swap3A_390, %swap3A_391], %swap3A_394 {strides = array<i32>} : memref<529x72x72xf32, #tpu.memory_space<vmem>>, vector<529x1x41xf32>,
      %slice3A_395 = vector.extract_strided_slice %select_n3A {offsets = [0, 861], sizes = [529, 42], strides = [1, 1]} : vector<529x2628xf32> to vector<529x42xf32>
      %swap3A_396 = arith.constant 0 : index
      %swap3A_397 = arith.constant 41 : index
      %swap3A_398 = arith.constant 0 : index
      %swap3A_399 = vector.load %arg34[%swap3A_396, %swap3A_397, %swap3A_398] : memref<529x72x72xf32, #tpu.memory_space<vmem>>, vector<529x1x42xf32>
      %swap3A_400 = vector.shape_cast %swap3A_399 : vector<529x1x42xf32> to vector<529x42xf32>
      %swap3A_401 = vector.shape_cast %slice3A_395 : vector<529x42xf32> to vector<529x1x42xf32>
      tpu.vector_store %arg34[%swap3A_396, %swap3A_397, %swap3A_398], %swap3A_401 {strides = array<i32>} : memref<529x72x72xf32, #tpu.memory_space<vmem>>, vector<529x1x42xf32>,
      %slice3A_402 = vector.extract_strided_slice %select_n3A {offsets = [0, 903], sizes = [529, 43], strides = [1, 1]} : vector<529x2628xf32> to vector<529x43xf32>
      %swap3A_403 = arith.constant 0 : index
      %swap3A_404 = arith.constant 42 : index
      %swap3A_405 = arith.constant 0 : index
      %swap3A_406 = vector.load %arg34[%swap3A_403, %swap3A_404, %swap3A_405] : memref<529x72x72xf32, #tpu.memory_space<vmem>>, vector<529x1x43xf32>
      %swap3A_407 = vector.shape_cast %swap3A_406 : vector<529x1x43xf32> to vector<529x43xf32>
      %swap3A_408 = vector.shape_cast %slice3A_402 : vector<529x43xf32> to vector<529x1x43xf32>
      tpu.vector_store %arg34[%swap3A_403, %swap3A_404, %swap3A_405], %swap3A_408 {strides = array<i32>} : memref<529x72x72xf32, #tpu.memory_space<vmem>>, vector<529x1x43xf32>,
      %slice3A_409 = vector.extract_strided_slice %select_n3A {offsets = [0, 946], sizes = [529, 44], strides = [1, 1]} : vector<529x2628xf32> to vector<529x44xf32>
      %swap3A_410 = arith.constant 0 : index
      %swap3A_411 = arith.constant 43 : index
      %swap3A_412 = arith.constant 0 : index
      %swap3A_413 = vector.load %arg34[%swap3A_410, %swap3A_411, %swap3A_412] : memref<529x72x72xf32, #tpu.memory_space<vmem>>, vector<529x1x44xf32>
      %swap3A_414 = vector.shape_cast %swap3A_413 : vector<529x1x44xf32> to vector<529x44xf32>
      %swap3A_415 = vector.shape_cast %slice3A_409 : vector<529x44xf32> to vector<529x1x44xf32>
      tpu.vector_store %arg34[%swap3A_410, %swap3A_411, %swap3A_412], %swap3A_415 {strides = array<i32>} : memref<529x72x72xf32, #tpu.memory_space<vmem>>, vector<529x1x44xf32>,
      %slice3A_416 = vector.extract_strided_slice %select_n3A {offsets = [0, 990], sizes = [529, 45], strides = [1, 1]} : vector<529x2628xf32> to vector<529x45xf32>
      %swap3A_417 = arith.constant 0 : index
      %swap3A_418 = arith.constant 44 : index
      %swap3A_419 = arith.constant 0 : index
      %swap3A_420 = vector.load %arg34[%swap3A_417, %swap3A_418, %swap3A_419] : memref<529x72x72xf32, #tpu.memory_space<vmem>>, vector<529x1x45xf32>
      %swap3A_421 = vector.shape_cast %swap3A_420 : vector<529x1x45xf32> to vector<529x45xf32>
      %swap3A_422 = vector.shape_cast %slice3A_416 : vector<529x45xf32> to vector<529x1x45xf32>
      tpu.vector_store %arg34[%swap3A_417, %swap3A_418, %swap3A_419], %swap3A_422 {strides = array<i32>} : memref<529x72x72xf32, #tpu.memory_space<vmem>>, vector<529x1x45xf32>,
      %slice3A_423 = vector.extract_strided_slice %select_n3A {offsets = [0, 1035], sizes = [529, 46], strides = [1, 1]} : vector<529x2628xf32> to vector<529x46xf32>
      %swap3A_424 = arith.constant 0 : index
      %swap3A_425 = arith.constant 45 : index
      %swap3A_426 = arith.constant 0 : index
      %swap3A_427 = vector.load %arg34[%swap3A_424, %swap3A_425, %swap3A_426] : memref<529x72x72xf32, #tpu.memory_space<vmem>>, vector<529x1x46xf32>
      %swap3A_428 = vector.shape_cast %swap3A_427 : vector<529x1x46xf32> to vector<529x46xf32>
      %swap3A_429 = vector.shape_cast %slice3A_423 : vector<529x46xf32> to vector<529x1x46xf32>
      tpu.vector_store %arg34[%swap3A_424, %swap3A_425, %swap3A_426], %swap3A_429 {strides = array<i32>} : memref<529x72x72xf32, #tpu.memory_space<vmem>>, vector<529x1x46xf32>,
      %slice3A_430 = vector.extract_strided_slice %select_n3A {offsets = [0, 1081], sizes = [529, 47], strides = [1, 1]} : vector<529x2628xf32> to vector<529x47xf32>
      %swap3A_431 = arith.constant 0 : index
      %swap3A_432 = arith.constant 46 : index
      %swap3A_433 = arith.constant 0 : index
      %swap3A_434 = vector.load %arg34[%swap3A_431, %swap3A_432, %swap3A_433] : memref<529x72x72xf32, #tpu.memory_space<vmem>>, vector<529x1x47xf32>
      %swap3A_435 = vector.shape_cast %swap3A_434 : vector<529x1x47xf32> to vector<529x47xf32>
      %swap3A_436 = vector.shape_cast %slice3A_430 : vector<529x47xf32> to vector<529x1x47xf32>
      tpu.vector_store %arg34[%swap3A_431, %swap3A_432, %swap3A_433], %swap3A_436 {strides = array<i32>} : memref<529x72x72xf32, #tpu.memory_space<vmem>>, vector<529x1x47xf32>,
      %slice3A_437 = vector.extract_strided_slice %select_n3A {offsets = [0, 1128], sizes = [529, 48], strides = [1, 1]} : vector<529x2628xf32> to vector<529x48xf32>
      %swap3A_438 = arith.constant 0 : index
      %swap3A_439 = arith.constant 47 : index
      %swap3A_440 = arith.constant 0 : index
      %swap3A_441 = vector.load %arg34[%swap3A_438, %swap3A_439, %swap3A_440] : memref<529x72x72xf32, #tpu.memory_space<vmem>>, vector<529x1x48xf32>
      %swap3A_442 = vector.shape_cast %swap3A_441 : vector<529x1x48xf32> to vector<529x48xf32>
      %swap3A_443 = vector.shape_cast %slice3A_437 : vector<529x48xf32> to vector<529x1x48xf32>
      tpu.vector_store %arg34[%swap3A_438, %swap3A_439, %swap3A_440], %swap3A_443 {strides = array<i32>} : memref<529x72x72xf32, #tpu.memory_space<vmem>>, vector<529x1x48xf32>,
      %slice3A_444 = vector.extract_strided_slice %select_n3A {offsets = [0, 1176], sizes = [529, 49], strides = [1, 1]} : vector<529x2628xf32> to vector<529x49xf32>
      %swap3A_445 = arith.constant 0 : index
      %swap3A_446 = arith.constant 48 : index
      %swap3A_447 = arith.constant 0 : index
      %swap3A_448 = vector.load %arg34[%swap3A_445, %swap3A_446, %swap3A_447] : memref<529x72x72xf32, #tpu.memory_space<vmem>>, vector<529x1x49xf32>
      %swap3A_449 = vector.shape_cast %swap3A_448 : vector<529x1x49xf32> to vector<529x49xf32>
      %swap3A_450 = vector.shape_cast %slice3A_444 : vector<529x49xf32> to vector<529x1x49xf32>
      tpu.vector_store %arg34[%swap3A_445, %swap3A_446, %swap3A_447], %swap3A_450 {strides = array<i32>} : memref<529x72x72xf32, #tpu.memory_space<vmem>>, vector<529x1x49xf32>,
      %slice3A_451 = vector.extract_strided_slice %select_n3A {offsets = [0, 1225], sizes = [529, 50], strides = [1, 1]} : vector<529x2628xf32> to vector<529x50xf32>
      %swap3A_452 = arith.constant 0 : index
      %swap3A_453 = arith.constant 49 : index
      %swap3A_454 = arith.constant 0 : index
      %swap3A_455 = vector.load %arg34[%swap3A_452, %swap3A_453, %swap3A_454] : memref<529x72x72xf32, #tpu.memory_space<vmem>>, vector<529x1x50xf32>
      %swap3A_456 = vector.shape_cast %swap3A_455 : vector<529x1x50xf32> to vector<529x50xf32>
      %swap3A_457 = vector.shape_cast %slice3A_451 : vector<529x50xf32> to vector<529x1x50xf32>
      tpu.vector_store %arg34[%swap3A_452, %swap3A_453, %swap3A_454], %swap3A_457 {strides = array<i32>} : memref<529x72x72xf32, #tpu.memory_space<vmem>>, vector<529x1x50xf32>,
      %slice3A_458 = vector.extract_strided_slice %select_n3A {offsets = [0, 1275], sizes = [529, 51], strides = [1, 1]} : vector<529x2628xf32> to vector<529x51xf32>
      %swap3A_459 = arith.constant 0 : index
      %swap3A_460 = arith.constant 50 : index
      %swap3A_461 = arith.constant 0 : index
      %swap3A_462 = vector.load %arg34[%swap3A_459, %swap3A_460, %swap3A_461] : memref<529x72x72xf32, #tpu.memory_space<vmem>>, vector<529x1x51xf32>
      %swap3A_463 = vector.shape_cast %swap3A_462 : vector<529x1x51xf32> to vector<529x51xf32>
      %swap3A_464 = vector.shape_cast %slice3A_458 : vector<529x51xf32> to vector<529x1x51xf32>
      tpu.vector_store %arg34[%swap3A_459, %swap3A_460, %swap3A_461], %swap3A_464 {strides = array<i32>} : memref<529x72x72xf32, #tpu.memory_space<vmem>>, vector<529x1x51xf32>,
      %slice3A_465 = vector.extract_strided_slice %select_n3A {offsets = [0, 1326], sizes = [529, 52], strides = [1, 1]} : vector<529x2628xf32> to vector<529x52xf32>
      %swap3A_466 = arith.constant 0 : index
      %swap3A_467 = arith.constant 51 : index
      %swap3A_468 = arith.constant 0 : index
      %swap3A_469 = vector.load %arg34[%swap3A_466, %swap3A_467, %swap3A_468] : memref<529x72x72xf32, #tpu.memory_space<vmem>>, vector<529x1x52xf32>
      %swap3A_470 = vector.shape_cast %swap3A_469 : vector<529x1x52xf32> to vector<529x52xf32>
      %swap3A_471 = vector.shape_cast %slice3A_465 : vector<529x52xf32> to vector<529x1x52xf32>
      tpu.vector_store %arg34[%swap3A_466, %swap3A_467, %swap3A_468], %swap3A_471 {strides = array<i32>} : memref<529x72x72xf32, #tpu.memory_space<vmem>>, vector<529x1x52xf32>,
      %slice3A_472 = vector.extract_strided_slice %select_n3A {offsets = [0, 1378], sizes = [529, 53], strides = [1, 1]} : vector<529x2628xf32> to vector<529x53xf32>
      %swap3A_473 = arith.constant 0 : index
      %swap3A_474 = arith.constant 52 : index
      %swap3A_475 = arith.constant 0 : index
      %swap3A_476 = vector.load %arg34[%swap3A_473, %swap3A_474, %swap3A_475] : memref<529x72x72xf32, #tpu.memory_space<vmem>>, vector<529x1x53xf32>
      %swap3A_477 = vector.shape_cast %swap3A_476 : vector<529x1x53xf32> to vector<529x53xf32>
      %swap3A_478 = vector.shape_cast %slice3A_472 : vector<529x53xf32> to vector<529x1x53xf32>
      tpu.vector_store %arg34[%swap3A_473, %swap3A_474, %swap3A_475], %swap3A_478 {strides = array<i32>} : memref<529x72x72xf32, #tpu.memory_space<vmem>>, vector<529x1x53xf32>,
      %slice3A_479 = vector.extract_strided_slice %select_n3A {offsets = [0, 1431], sizes = [529, 54], strides = [1, 1]} : vector<529x2628xf32> to vector<529x54xf32>
      %swap3A_480 = arith.constant 0 : index
      %swap3A_481 = arith.constant 53 : index
      %swap3A_482 = arith.constant 0 : index
      %swap3A_483 = vector.load %arg34[%swap3A_480, %swap3A_481, %swap3A_482] : memref<529x72x72xf32, #tpu.memory_space<vmem>>, vector<529x1x54xf32>
      %swap3A_484 = vector.shape_cast %swap3A_483 : vector<529x1x54xf32> to vector<529x54xf32>
      %swap3A_485 = vector.shape_cast %slice3A_479 : vector<529x54xf32> to vector<529x1x54xf32>
      tpu.vector_store %arg34[%swap3A_480, %swap3A_481, %swap3A_482], %swap3A_485 {strides = array<i32>} : memref<529x72x72xf32, #tpu.memory_space<vmem>>, vector<529x1x54xf32>,
      %slice3A_486 = vector.extract_strided_slice %select_n3A {offsets = [0, 1485], sizes = [529, 55], strides = [1, 1]} : vector<529x2628xf32> to vector<529x55xf32>
      %swap3A_487 = arith.constant 0 : index
      %swap3A_488 = arith.constant 54 : index
      %swap3A_489 = arith.constant 0 : index
      %swap3A_490 = vector.load %arg34[%swap3A_487, %swap3A_488, %swap3A_489] : memref<529x72x72xf32, #tpu.memory_space<vmem>>, vector<529x1x55xf32>
      %swap3A_491 = vector.shape_cast %swap3A_490 : vector<529x1x55xf32> to vector<529x55xf32>
      %swap3A_492 = vector.shape_cast %slice3A_486 : vector<529x55xf32> to vector<529x1x55xf32>
      tpu.vector_store %arg34[%swap3A_487, %swap3A_488, %swap3A_489], %swap3A_492 {strides = array<i32>} : memref<529x72x72xf32, #tpu.memory_space<vmem>>, vector<529x1x55xf32>,
      %slice3A_493 = vector.extract_strided_slice %select_n3A {offsets = [0, 1540], sizes = [529, 56], strides = [1, 1]} : vector<529x2628xf32> to vector<529x56xf32>
      %swap3A_494 = arith.constant 0 : index
      %swap3A_495 = arith.constant 55 : index
      %swap3A_496 = arith.constant 0 : index
      %swap3A_497 = vector.load %arg34[%swap3A_494, %swap3A_495, %swap3A_496] : memref<529x72x72xf32, #tpu.memory_space<vmem>>, vector<529x1x56xf32>
      %swap3A_498 = vector.shape_cast %swap3A_497 : vector<529x1x56xf32> to vector<529x56xf32>
      %swap3A_499 = vector.shape_cast %slice3A_493 : vector<529x56xf32> to vector<529x1x56xf32>
      tpu.vector_store %arg34[%swap3A_494, %swap3A_495, %swap3A_496], %swap3A_499 {strides = array<i32>} : memref<529x72x72xf32, #tpu.memory_space<vmem>>, vector<529x1x56xf32>,
      %slice3A_500 = vector.extract_strided_slice %select_n3A {offsets = [0, 1596], sizes = [529, 57], strides = [1, 1]} : vector<529x2628xf32> to vector<529x57xf32>
      %swap3A_501 = arith.constant 0 : index
      %swap3A_502 = arith.constant 56 : index
      %swap3A_503 = arith.constant 0 : index
      %swap3A_504 = vector.load %arg34[%swap3A_501, %swap3A_502, %swap3A_503] : memref<529x72x72xf32, #tpu.memory_space<vmem>>, vector<529x1x57xf32>
      %swap3A_505 = vector.shape_cast %swap3A_504 : vector<529x1x57xf32> to vector<529x57xf32>
      %swap3A_506 = vector.shape_cast %slice3A_500 : vector<529x57xf32> to vector<529x1x57xf32>
      tpu.vector_store %arg34[%swap3A_501, %swap3A_502, %swap3A_503], %swap3A_506 {strides = array<i32>} : memref<529x72x72xf32, #tpu.memory_space<vmem>>, vector<529x1x57xf32>,
      %slice3A_507 = vector.extract_strided_slice %select_n3A {offsets = [0, 1653], sizes = [529, 58], strides = [1, 1]} : vector<529x2628xf32> to vector<529x58xf32>
      %swap3A_508 = arith.constant 0 : index
      %swap3A_509 = arith.constant 57 : index
      %swap3A_510 = arith.constant 0 : index
      %swap3A_511 = vector.load %arg34[%swap3A_508, %swap3A_509, %swap3A_510] : memref<529x72x72xf32, #tpu.memory_space<vmem>>, vector<529x1x58xf32>
      %swap3A_512 = vector.shape_cast %swap3A_511 : vector<529x1x58xf32> to vector<529x58xf32>
      %swap3A_513 = vector.shape_cast %slice3A_507 : vector<529x58xf32> to vector<529x1x58xf32>
      tpu.vector_store %arg34[%swap3A_508, %swap3A_509, %swap3A_510], %swap3A_513 {strides = array<i32>} : memref<529x72x72xf32, #tpu.memory_space<vmem>>, vector<529x1x58xf32>,
      %slice3A_514 = vector.extract_strided_slice %select_n3A {offsets = [0, 1711], sizes = [529, 59], strides = [1, 1]} : vector<529x2628xf32> to vector<529x59xf32>
      %swap3A_515 = arith.constant 0 : index
      %swap3A_516 = arith.constant 58 : index
      %swap3A_517 = arith.constant 0 : index
      %swap3A_518 = vector.load %arg34[%swap3A_515, %swap3A_516, %swap3A_517] : memref<529x72x72xf32, #tpu.memory_space<vmem>>, vector<529x1x59xf32>
      %swap3A_519 = vector.shape_cast %swap3A_518 : vector<529x1x59xf32> to vector<529x59xf32>
      %swap3A_520 = vector.shape_cast %slice3A_514 : vector<529x59xf32> to vector<529x1x59xf32>
      tpu.vector_store %arg34[%swap3A_515, %swap3A_516, %swap3A_517], %swap3A_520 {strides = array<i32>} : memref<529x72x72xf32, #tpu.memory_space<vmem>>, vector<529x1x59xf32>,
      %slice3A_521 = vector.extract_strided_slice %select_n3A {offsets = [0, 1770], sizes = [529, 60], strides = [1, 1]} : vector<529x2628xf32> to vector<529x60xf32>
      %swap3A_522 = arith.constant 0 : index
      %swap3A_523 = arith.constant 59 : index
      %swap3A_524 = arith.constant 0 : index
      %swap3A_525 = vector.load %arg34[%swap3A_522, %swap3A_523, %swap3A_524] : memref<529x72x72xf32, #tpu.memory_space<vmem>>, vector<529x1x60xf32>
      %swap3A_526 = vector.shape_cast %swap3A_525 : vector<529x1x60xf32> to vector<529x60xf32>
      %swap3A_527 = vector.shape_cast %slice3A_521 : vector<529x60xf32> to vector<529x1x60xf32>
      tpu.vector_store %arg34[%swap3A_522, %swap3A_523, %swap3A_524], %swap3A_527 {strides = array<i32>} : memref<529x72x72xf32, #tpu.memory_space<vmem>>, vector<529x1x60xf32>,
      %slice3A_528 = vector.extract_strided_slice %select_n3A {offsets = [0, 1830], sizes = [529, 61], strides = [1, 1]} : vector<529x2628xf32> to vector<529x61xf32>
      %swap3A_529 = arith.constant 0 : index
      %swap3A_530 = arith.constant 60 : index
      %swap3A_531 = arith.constant 0 : index
      %swap3A_532 = vector.load %arg34[%swap3A_529, %swap3A_530, %swap3A_531] : memref<529x72x72xf32, #tpu.memory_space<vmem>>, vector<529x1x61xf32>
      %swap3A_533 = vector.shape_cast %swap3A_532 : vector<529x1x61xf32> to vector<529x61xf32>
      %swap3A_534 = vector.shape_cast %slice3A_528 : vector<529x61xf32> to vector<529x1x61xf32>
      tpu.vector_store %arg34[%swap3A_529, %swap3A_530, %swap3A_531], %swap3A_534 {strides = array<i32>} : memref<529x72x72xf32, #tpu.memory_space<vmem>>, vector<529x1x61xf32>,
      %slice3A_535 = vector.extract_strided_slice %select_n3A {offsets = [0, 1891], sizes = [529, 62], strides = [1, 1]} : vector<529x2628xf32> to vector<529x62xf32>
      %swap3A_536 = arith.constant 0 : index
      %swap3A_537 = arith.constant 61 : index
      %swap3A_538 = arith.constant 0 : index
      %swap3A_539 = vector.load %arg34[%swap3A_536, %swap3A_537, %swap3A_538] : memref<529x72x72xf32, #tpu.memory_space<vmem>>, vector<529x1x62xf32>
      %swap3A_540 = vector.shape_cast %swap3A_539 : vector<529x1x62xf32> to vector<529x62xf32>
      %swap3A_541 = vector.shape_cast %slice3A_535 : vector<529x62xf32> to vector<529x1x62xf32>
      tpu.vector_store %arg34[%swap3A_536, %swap3A_537, %swap3A_538], %swap3A_541 {strides = array<i32>} : memref<529x72x72xf32, #tpu.memory_space<vmem>>, vector<529x1x62xf32>,
      %slice3A_542 = vector.extract_strided_slice %select_n3A {offsets = [0, 1953], sizes = [529, 63], strides = [1, 1]} : vector<529x2628xf32> to vector<529x63xf32>
      %swap3A_543 = arith.constant 0 : index
      %swap3A_544 = arith.constant 62 : index
      %swap3A_545 = arith.constant 0 : index
      %swap3A_546 = vector.load %arg34[%swap3A_543, %swap3A_544, %swap3A_545] : memref<529x72x72xf32, #tpu.memory_space<vmem>>, vector<529x1x63xf32>
      %swap3A_547 = vector.shape_cast %swap3A_546 : vector<529x1x63xf32> to vector<529x63xf32>
      %swap3A_548 = vector.shape_cast %slice3A_542 : vector<529x63xf32> to vector<529x1x63xf32>
      tpu.vector_store %arg34[%swap3A_543, %swap3A_544, %swap3A_545], %swap3A_548 {strides = array<i32>} : memref<529x72x72xf32, #tpu.memory_space<vmem>>, vector<529x1x63xf32>,
      %slice3A_549 = vector.extract_strided_slice %select_n3A {offsets = [0, 2016], sizes = [529, 64], strides = [1, 1]} : vector<529x2628xf32> to vector<529x64xf32>
      %swap3A_550 = arith.constant 0 : index
      %swap3A_551 = arith.constant 63 : index
      %swap3A_552 = arith.constant 0 : index
      %swap3A_553 = vector.load %arg34[%swap3A_550, %swap3A_551, %swap3A_552] : memref<529x72x72xf32, #tpu.memory_space<vmem>>, vector<529x1x64xf32>
      %swap3A_554 = vector.shape_cast %swap3A_553 : vector<529x1x64xf32> to vector<529x64xf32>
      %swap3A_555 = vector.shape_cast %slice3A_549 : vector<529x64xf32> to vector<529x1x64xf32>
      tpu.vector_store %arg34[%swap3A_550, %swap3A_551, %swap3A_552], %swap3A_555 {strides = array<i32>} : memref<529x72x72xf32, #tpu.memory_space<vmem>>, vector<529x1x64xf32>,
      %slice3A_556 = vector.extract_strided_slice %select_n3A {offsets = [0, 2080], sizes = [529, 65], strides = [1, 1]} : vector<529x2628xf32> to vector<529x65xf32>
      %swap3A_557 = arith.constant 0 : index
      %swap3A_558 = arith.constant 64 : index
      %swap3A_559 = arith.constant 0 : index
      %swap3A_560 = vector.load %arg34[%swap3A_557, %swap3A_558, %swap3A_559] : memref<529x72x72xf32, #tpu.memory_space<vmem>>, vector<529x1x65xf32>
      %swap3A_561 = vector.shape_cast %swap3A_560 : vector<529x1x65xf32> to vector<529x65xf32>
      %swap3A_562 = vector.shape_cast %slice3A_556 : vector<529x65xf32> to vector<529x1x65xf32>
      tpu.vector_store %arg34[%swap3A_557, %swap3A_558, %swap3A_559], %swap3A_562 {strides = array<i32>} : memref<529x72x72xf32, #tpu.memory_space<vmem>>, vector<529x1x65xf32>,
      %slice3A_563 = vector.extract_strided_slice %select_n3A {offsets = [0, 2145], sizes = [529, 66], strides = [1, 1]} : vector<529x2628xf32> to vector<529x66xf32>
      %swap3A_564 = arith.constant 0 : index
      %swap3A_565 = arith.constant 65 : index
      %swap3A_566 = arith.constant 0 : index
      %swap3A_567 = vector.load %arg34[%swap3A_564, %swap3A_565, %swap3A_566] : memref<529x72x72xf32, #tpu.memory_space<vmem>>, vector<529x1x66xf32>
      %swap3A_568 = vector.shape_cast %swap3A_567 : vector<529x1x66xf32> to vector<529x66xf32>
      %swap3A_569 = vector.shape_cast %slice3A_563 : vector<529x66xf32> to vector<529x1x66xf32>
      tpu.vector_store %arg34[%swap3A_564, %swap3A_565, %swap3A_566], %swap3A_569 {strides = array<i32>} : memref<529x72x72xf32, #tpu.memory_space<vmem>>, vector<529x1x66xf32>,
      %slice3A_570 = vector.extract_strided_slice %select_n3A {offsets = [0, 2211], sizes = [529, 67], strides = [1, 1]} : vector<529x2628xf32> to vector<529x67xf32>
      %swap3A_571 = arith.constant 0 : index
      %swap3A_572 = arith.constant 66 : index
      %swap3A_573 = arith.constant 0 : index
      %swap3A_574 = vector.load %arg34[%swap3A_571, %swap3A_572, %swap3A_573] : memref<529x72x72xf32, #tpu.memory_space<vmem>>, vector<529x1x67xf32>
      %swap3A_575 = vector.shape_cast %swap3A_574 : vector<529x1x67xf32> to vector<529x67xf32>
      %swap3A_576 = vector.shape_cast %slice3A_570 : vector<529x67xf32> to vector<529x1x67xf32>
      tpu.vector_store %arg34[%swap3A_571, %swap3A_572, %swap3A_573], %swap3A_576 {strides = array<i32>} : memref<529x72x72xf32, #tpu.memory_space<vmem>>, vector<529x1x67xf32>,
      %slice3A_577 = vector.extract_strided_slice %select_n3A {offsets = [0, 2278], sizes = [529, 68], strides = [1, 1]} : vector<529x2628xf32> to vector<529x68xf32>
      %swap3A_578 = arith.constant 0 : index
      %swap3A_579 = arith.constant 67 : index
      %swap3A_580 = arith.constant 0 : index
      %swap3A_581 = vector.load %arg34[%swap3A_578, %swap3A_579, %swap3A_580] : memref<529x72x72xf32, #tpu.memory_space<vmem>>, vector<529x1x68xf32>
      %swap3A_582 = vector.shape_cast %swap3A_581 : vector<529x1x68xf32> to vector<529x68xf32>
      %swap3A_583 = vector.shape_cast %slice3A_577 : vector<529x68xf32> to vector<529x1x68xf32>
      tpu.vector_store %arg34[%swap3A_578, %swap3A_579, %swap3A_580], %swap3A_583 {strides = array<i32>} : memref<529x72x72xf32, #tpu.memory_space<vmem>>, vector<529x1x68xf32>,
      %slice3A_584 = vector.extract_strided_slice %select_n3A {offsets = [0, 2346], sizes = [529, 69], strides = [1, 1]} : vector<529x2628xf32> to vector<529x69xf32>
      %swap3A_585 = arith.constant 0 : index
      %swap3A_586 = arith.constant 68 : index
      %swap3A_587 = arith.constant 0 : index
      %swap3A_588 = vector.load %arg34[%swap3A_585, %swap3A_586, %swap3A_587] : memref<529x72x72xf32, #tpu.memory_space<vmem>>, vector<529x1x69xf32>
      %swap3A_589 = vector.shape_cast %swap3A_588 : vector<529x1x69xf32> to vector<529x69xf32>
      %swap3A_590 = vector.shape_cast %slice3A_584 : vector<529x69xf32> to vector<529x1x69xf32>
      tpu.vector_store %arg34[%swap3A_585, %swap3A_586, %swap3A_587], %swap3A_590 {strides = array<i32>} : memref<529x72x72xf32, #tpu.memory_space<vmem>>, vector<529x1x69xf32>,
      %slice3A_591 = vector.extract_strided_slice %select_n3A {offsets = [0, 2415], sizes = [529, 70], strides = [1, 1]} : vector<529x2628xf32> to vector<529x70xf32>
      %swap3A_592 = arith.constant 0 : index
      %swap3A_593 = arith.constant 69 : index
      %swap3A_594 = arith.constant 0 : index
      %swap3A_595 = vector.load %arg34[%swap3A_592, %swap3A_593, %swap3A_594] : memref<529x72x72xf32, #tpu.memory_space<vmem>>, vector<529x1x70xf32>
      %swap3A_596 = vector.shape_cast %swap3A_595 : vector<529x1x70xf32> to vector<529x70xf32>
      %swap3A_597 = vector.shape_cast %slice3A_591 : vector<529x70xf32> to vector<529x1x70xf32>
      tpu.vector_store %arg34[%swap3A_592, %swap3A_593, %swap3A_594], %swap3A_597 {strides = array<i32>} : memref<529x72x72xf32, #tpu.memory_space<vmem>>, vector<529x1x70xf32>,
      %slice3A_598 = vector.extract_strided_slice %select_n3A {offsets = [0, 2485], sizes = [529, 71], strides = [1, 1]} : vector<529x2628xf32> to vector<529x71xf32>
      %swap3A_599 = arith.constant 0 : index
      %swap3A_600 = arith.constant 70 : index
      %swap3A_601 = arith.constant 0 : index
      %swap3A_602 = vector.load %arg34[%swap3A_599, %swap3A_600, %swap3A_601] : memref<529x72x72xf32, #tpu.memory_space<vmem>>, vector<529x1x71xf32>
      %swap3A_603 = vector.shape_cast %swap3A_602 : vector<529x1x71xf32> to vector<529x71xf32>
      %swap3A_604 = vector.shape_cast %slice3A_598 : vector<529x71xf32> to vector<529x1x71xf32>
      tpu.vector_store %arg34[%swap3A_599, %swap3A_600, %swap3A_601], %swap3A_604 {strides = array<i32>} : memref<529x72x72xf32, #tpu.memory_space<vmem>>, vector<529x1x71xf32>,
      %slice3A_605 = vector.extract_strided_slice %select_n3A {offsets = [0, 2556], sizes = [529, 72], strides = [1, 1]} : vector<529x2628xf32> to vector<529x72xf32>
      %swap3A_606 = arith.constant 0 : index
      %swap3A_607 = arith.constant 71 : index
      %swap3A_608 = arith.constant 0 : index
      %swap3A_609 = vector.load %arg34[%swap3A_606, %swap3A_607, %swap3A_608] : memref<529x72x72xf32, #tpu.memory_space<vmem>>, vector<529x1x72xf32>
      %swap3A_610 = vector.shape_cast %swap3A_609 : vector<529x1x72xf32> to vector<529x72xf32>
      %swap3A_611 = vector.shape_cast %slice3A_605 : vector<529x72xf32> to vector<529x1x72xf32>
      tpu.vector_store %arg34[%swap3A_606, %swap3A_607, %swap3A_608], %swap3A_611 {strides = array<i32>} : memref<529x72x72xf32, #tpu.memory_space<vmem>>, vector<529x1x72xf32>,
    } else {
    }
    %broadcast_in_dim3A_35 = arith.constant 0.000000e+00 : f32
    %broadcast_in_dim3A_36 = vector.broadcast %broadcast_in_dim3A_35 : f32 to vector<1656x56xf32>
    %swap3A_37 = arith.constant 0 : index
    %swap3A_38 = arith.constant 0 : index
    %swap3A_39 = arith.constant 72 : index
    %swap3A_40 = vector.load %arg31[%swap3A_37, %swap3A_38, %swap3A_39] : memref<1x1656x128xf32, #tpu.memory_space<vmem>>, vector<1x1656x56xf32>
    %swap3A_41 = vector.shape_cast %swap3A_40 : vector<1x1656x56xf32> to vector<1656x56xf32>
    %swap3A_42 = vector.shape_cast %broadcast_in_dim3A_36 : vector<1656x56xf32> to vector<1x1656x56xf32>
    tpu.vector_store %arg31[%swap3A_37, %swap3A_38, %swap3A_39], %swap3A_42 {strides = array<i32>} : memref<1x1656x128xf32, #tpu.memory_space<vmem>>, vector<1x1656x56xf32>,
    %scan3A_43 = arith.constant 0 : i32
    %scan3A_44 = arith.constant 23 : i32
    %scan3A_45 = arith.addi %scan3A_43, %scan3A_44 : i32
    %scan3A_46 = arith.constant 1 : i32
    scf.for %scan3A_48 = %scan3A_43 to %scan3A_45 step %scan3A_46  : i32 {
      %mul3A = arith.constant 23 : i32
      %mul3A_49 = arith.muli %arg1, %mul3A : i32
      %add3A = arith.addi %mul3A_49, %scan3A_48 : i32
      %get3A = arith.index_cast %add3A : i32 to index
      %get3A_50 = arith.constant 0 : index
      %get3A_51 = arith.constant 0 : index
      %get3A_52 = vector.load %arg34[%get3A, %get3A_50, %get3A_51] : memref<529x72x72xf32, #tpu.memory_space<vmem>>, vector<1x72x72xf32>
      %squeeze3A = vector.shape_cast %get3A_52 : vector<1x72x72xf32> to vector<72x72xf32>
      %dot_general3A = arith.constant dense<0.000000e+00> : vector<72x72xf32>
      %dot_general3A_53 = tpu.matmul %squeeze3A, %squeeze3A, %dot_general3A {dimension_numbers = #tpu.dot_dimension_numbers<[1], [1], [0], [0], [0, 0, 1, 0], [], []>, transpose_lhs_hint = false} : vector<72x72xf32>, vector<72x72xf32>, vector<72x72xf32> -> vector<72x72xf32>
      %mul3A_54 = arith.constant 72 : i32
      %mul3A_55 = arith.muli %scan3A_48, %mul3A_54 : i32
      %swap3A_56 = arith.constant 0 : index
      %swap3A_57 = arith.index_cast %mul3A_55 : i32 to index
      %swap3A_58 = arith.constant 0 : index
      %swap3A_59 = vector.load %arg31[%swap3A_56, %swap3A_57, %swap3A_58] : memref<1x1656x128xf32, #tpu.memory_space<vmem>>, vector<1x72x72xf32>
      %swap3A_60 = vector.shape_cast %swap3A_59 : vector<1x72x72xf32> to vector<72x72xf32>
      %swap3A_61 = vector.shape_cast %dot_general3A_53 : vector<72x72xf32> to vector<1x72x72xf32>
      tpu.vector_store %arg31[%swap3A_56, %swap3A_57, %swap3A_58], %swap3A_61 {strides = array<i32>} : memref<1x1656x128xf32, #tpu.memory_space<vmem>>, vector<1x72x72xf32>,
    }
    %scan3A_47 = arith.constant 23 : i32
    return
  }
  func.func @transform_0(%arg0: i32, %arg1: i32) -> (i32, i32, i32) {
    %c0_i32 = arith.constant 0 : i32
    %c0_i32_0 = arith.constant 0 : i32
    %c0_i32_1 = arith.constant 0 : i32
    return %arg0, %c0_i32, %c0_i32_0 : i32, i32, i32
  }
  func.func @transform_1(%arg0: i32, %arg1: i32) -> (i32, i32) {
    %c0_i32 = arith.constant 0 : i32
    %c0_i32_0 = arith.constant 0 : i32
    %c0_i32_1 = arith.constant 0 : i32
    return %c0_i32, %c0_i32_0 : i32, i32
  }
  func.func @transform_2(%arg0: i32, %arg1: i32) -> (i32, i32) {
    %c0_i32 = arith.constant 0 : i32
    %c0_i32_0 = arith.constant 0 : i32
    %c0_i32_1 = arith.constant 0 : i32
    return %c0_i32, %c0_i32_0 : i32, i32
  }
  func.func @transform_3(%arg0: i32, %arg1: i32) -> (i32, i32) {
    %c0_i32 = arith.constant 0 : i32
    %c0_i32_0 = arith.constant 0 : i32
    %c0_i32_1 = arith.constant 0 : i32
    return %c0_i32, %c0_i32_0 : i32, i32
  }
  func.func @transform_4(%arg0: i32, %arg1: i32) -> (i32, i32) {
    %c0_i32 = arith.constant 0 : i32
    %c0_i32_0 = arith.constant 0 : i32
    %c0_i32_1 = arith.constant 0 : i32
    return %c0_i32, %c0_i32_0 : i32, i32
  }
  func.func @transform_5(%arg0: i32, %arg1: i32) -> (i32, i32) {
    %c0_i32 = arith.constant 0 : i32
    %c0_i32_0 = arith.constant 0 : i32
    %c0_i32_1 = arith.constant 0 : i32
    return %c0_i32, %c0_i32_0 : i32, i32
  }
  func.func @transform_6(%arg0: i32, %arg1: i32) -> (i32, i32) {
    %c0_i32 = arith.constant 0 : i32
    %c0_i32_0 = arith.constant 0 : i32
    %c0_i32_1 = arith.constant 0 : i32
    return %c0_i32, %c0_i32_0 : i32, i32
  }
  func.func @transform_7(%arg0: i32, %arg1: i32) -> (i32, i32) {
    %c0_i32 = arith.constant 0 : i32
    %c0_i32_0 = arith.constant 0 : i32
    %c0_i32_1 = arith.constant 0 : i32
    return %c0_i32, %c0_i32_0 : i32, i32
  }
  func.func @transform_8(%arg0: i32, %arg1: i32) -> (i32, i32) {
    %c0_i32 = arith.constant 0 : i32
    %c0_i32_0 = arith.constant 0 : i32
    %c0_i32_1 = arith.constant 0 : i32
    return %c0_i32, %c0_i32_0 : i32, i32
  }
  func.func @transform_9(%arg0: i32, %arg1: i32) -> (i32, i32, i32) {
    %c0_i32 = arith.constant 0 : i32
    %c0_i32_0 = arith.constant 0 : i32
    %c0_i32_1 = arith.constant 0 : i32
    return %arg0, %c0_i32, %c0_i32_0 : i32, i32, i32
  }
  func.func @transform_10(%arg0: i32, %arg1: i32) -> (i32, i32) {
    %c0_i32 = arith.constant 0 : i32
    %c0_i32_0 = arith.constant 0 : i32
    %c0_i32_1 = arith.constant 0 : i32
    return %c0_i32, %c0_i32_0 : i32, i32
  }
  func.func @transform_11(%arg0: i32, %arg1: i32) -> (i32, i32) {
    %c0_i32 = arith.constant 0 : i32
    %c0_i32_0 = arith.constant 0 : i32
    %c0_i32_1 = arith.constant 0 : i32
    return %c0_i32, %c0_i32_0 : i32, i32
  }
  func.func @transform_12(%arg0: i32, %arg1: i32) -> (i32, i32) {
    %c0_i32 = arith.constant 0 : i32
    %c0_i32_0 = arith.constant 0 : i32
    %c0_i32_1 = arith.constant 0 : i32
    return %c0_i32, %c0_i32_0 : i32, i32
  }
  func.func @transform_13(%arg0: i32, %arg1: i32) -> (i32, i32) {
    %c0_i32 = arith.constant 0 : i32
    %c0_i32_0 = arith.constant 0 : i32
    %c0_i32_1 = arith.constant 0 : i32
    return %c0_i32, %c0_i32_0 : i32, i32
  }
  func.func @transform_14(%arg0: i32, %arg1: i32) -> (i32, i32) {
    %c0_i32 = arith.constant 0 : i32
    %c0_i32_0 = arith.constant 0 : i32
    %c0_i32_1 = arith.constant 0 : i32
    return %c0_i32, %c0_i32_0 : i32, i32
  }
  func.func @transform_15(%arg0: i32, %arg1: i32) -> (i32, i32) {
    %c0_i32 = arith.constant 0 : i32
    %c0_i32_0 = arith.constant 0 : i32
    %c0_i32_1 = arith.constant 0 : i32
    return %c0_i32, %c0_i32_0 : i32, i32
  }
  func.func @transform_16(%arg0: i32, %arg1: i32) -> (i32, i32) {
    %c0_i32 = arith.constant 0 : i32
    %c0_i32_0 = arith.constant 0 : i32
    %c0_i32_1 = arith.constant 0 : i32
    return %c0_i32, %c0_i32_0 : i32, i32
  }
  func.func @transform_17(%arg0: i32, %arg1: i32) -> (i32, i32) {
    %c0_i32 = arith.constant 0 : i32
    %c0_i32_0 = arith.constant 0 : i32
    %c0_i32_1 = arith.constant 0 : i32
    return %c0_i32, %c0_i32_0 : i32, i32
  }
  func.func @transform_18(%arg0: i32, %arg1: i32) -> (i32, i32, i32) {
    %c0_i32 = arith.constant 0 : i32
    %c0_i32_0 = arith.constant 0 : i32
    %c0_i32_1 = arith.constant 0 : i32
    return %arg0, %c0_i32, %c0_i32_0 : i32, i32, i32
  }
  func.func @transform_19(%arg0: i32, %arg1: i32) -> (i32, i32) {
    %c0_i32 = arith.constant 0 : i32
    %c0_i32_0 = arith.constant 0 : i32
    %c0_i32_1 = arith.constant 0 : i32
    return %c0_i32, %c0_i32_0 : i32, i32
  }
  func.func @transform_20(%arg0: i32, %arg1: i32) -> (i32, i32) {
    %c0_i32 = arith.constant 0 : i32
    %c0_i32_0 = arith.constant 0 : i32
    %c0_i32_1 = arith.constant 0 : i32
    return %c0_i32, %c0_i32_0 : i32, i32
  }
  func.func @transform_21(%arg0: i32, %arg1: i32) -> (i32, i32) {
    %c0_i32 = arith.constant 0 : i32
    %c0_i32_0 = arith.constant 0 : i32
    %c0_i32_1 = arith.constant 0 : i32
    return %c0_i32, %c0_i32_0 : i32, i32
  }
  func.func @transform_22(%arg0: i32, %arg1: i32) -> (i32, i32) {
    %c0_i32 = arith.constant 0 : i32
    %c0_i32_0 = arith.constant 0 : i32
    %c0_i32_1 = arith.constant 0 : i32
    return %c0_i32, %c0_i32_0 : i32, i32
  }
  func.func @transform_23(%arg0: i32, %arg1: i32) -> (i32, i32) {
    %c0_i32 = arith.constant 0 : i32
    %c0_i32_0 = arith.constant 0 : i32
    %c0_i32_1 = arith.constant 0 : i32
    return %c0_i32, %c0_i32_0 : i32, i32
  }
  func.func @transform_24(%arg0: i32, %arg1: i32) -> (i32, i32) {
    %c0_i32 = arith.constant 0 : i32
    %c0_i32_0 = arith.constant 0 : i32
    %c0_i32_1 = arith.constant 0 : i32
    return %c0_i32, %c0_i32_0 : i32, i32
  }
  func.func @transform_25(%arg0: i32, %arg1: i32) -> (i32, i32) {
    %c0_i32 = arith.constant 0 : i32
    %c0_i32_0 = arith.constant 0 : i32
    %c0_i32_1 = arith.constant 0 : i32
    return %c0_i32, %c0_i32_0 : i32, i32
  }
  func.func @transform_26(%arg0: i32, %arg1: i32) -> (i32, i32) {
    %c0_i32 = arith.constant 0 : i32
    %c0_i32_0 = arith.constant 0 : i32
    %c0_i32_1 = arith.constant 0 : i32
    return %c0_i32, %c0_i32_0 : i32, i32
  }
  func.func @transform_27(%arg0: i32, %arg1: i32) -> (i32, i32, i32) {
    %c0_i32 = arith.constant 0 : i32
    %c0_i32_0 = arith.constant 0 : i32
    return %arg0, %arg1, %c0_i32 : i32, i32, i32
  }
  func.func @transform_28(%arg0: i32, %arg1: i32) -> (i32, i32, i32) {
    %c0_i32 = arith.constant 0 : i32
    %c0_i32_0 = arith.constant 0 : i32
    return %arg0, %arg1, %c0_i32 : i32, i32, i32
  }
  func.func @transform_29(%arg0: i32, %arg1: i32) -> (i32, i32, i32) {
    %c0_i32 = arith.constant 0 : i32
    %c0_i32_0 = arith.constant 0 : i32
    return %arg0, %arg1, %c0_i32 : i32, i32, i32
  }
}

module attributes {stable_mosaic.version = 14 : i64} {
  func.func @_epi_body(%arg0: i32, %arg1: memref<1x1152x1168xf32, #tpu.memory_space<vmem>>, %arg2: memref<1x1152x1152xi32, #tpu.memory_space<vmem>>, %arg3: memref<1x1152x1152xf32, #tpu.memory_space<vmem>>) attributes {dimension_semantics = [#tpu.dimension_semantics<arbitrary>], iteration_bounds = array<i64: 16>, scalar_prefetch = 0 : i64, scratch_operands = 0 : i64, tpu.core_type = #tpu.core_type<tc>, window_params = [{transform_indices = @transform_0, window_bounds = array<i64: 1, 1152, 1168>}, {transform_indices = @transform_1, window_bounds = array<i64: 1, 1152, 1152>}, {transform_indices = @transform_2, window_bounds = array<i64: 1, 1152, 1152>}]} {
    %get3A = arith.constant 0 : index
    %get3A_0 = arith.constant 0 : index
    %get3A_1 = arith.constant 0 : index
    %get3A_2 = vector.load %arg2[%get3A, %get3A_0, %get3A_1] : memref<1x1152x1152xi32, #tpu.memory_space<vmem>>, vector<1x1152x1152xi32>
    %get3A_3 = vector.shape_cast %get3A_2 : vector<1x1152x1152xi32> to vector<1152x1152xi32>
    %get3A_4 = arith.constant dense<0> : vector<1152x1152xi32>
    %get3A_5 = arith.cmpi ne, %get3A_3, %get3A_4 : vector<1152x1152xi32>
    %get3A_6 = arith.constant 0 : index
    %get3A_7 = arith.constant 0 : index
    %get3A_8 = arith.constant 0 : index
    %get3A_9 = vector.load %arg1[%get3A_6, %get3A_7, %get3A_8] : memref<1x1152x1168xf32, #tpu.memory_space<vmem>>, vector<1x1152x1152xf32>
    %get3A_10 = vector.shape_cast %get3A_9 : vector<1x1152x1152xf32> to vector<1152x1152xf32>
    %jit3A = arith.constant 0.000000e+00 : f32
    %broadcast_in_dim3A = vector.broadcast %jit3A : f32 to vector<1152x1152xf32>
    %select_n3A = arith.select %get3A_5, %broadcast_in_dim3A, %get3A_10 : vector<1152x1152xi1>, vector<1152x1152xf32>
    %swap3A = arith.constant 0 : index
    %swap3A_11 = arith.constant 0 : index
    %swap3A_12 = arith.constant 0 : index
    %swap3A_13 = vector.load %arg3[%swap3A, %swap3A_11, %swap3A_12] : memref<1x1152x1152xf32, #tpu.memory_space<vmem>>, vector<1x1152x1152xf32>
    %swap3A_14 = vector.shape_cast %swap3A_13 : vector<1x1152x1152xf32> to vector<1152x1152xf32>
    %swap3A_15 = vector.shape_cast %select_n3A : vector<1152x1152xf32> to vector<1x1152x1152xf32>
    tpu.vector_store %arg3[%swap3A, %swap3A_11, %swap3A_12], %swap3A_15 {strides = array<i32>} : memref<1x1152x1152xf32, #tpu.memory_space<vmem>>, vector<1x1152x1152xf32>,
    return
  }
  func.func @transform_0(%arg0: i32) -> (i32, i32, i32) {
    %c0_i32 = arith.constant 0 : i32
    %c0_i32_0 = arith.constant 0 : i32
    %c0_i32_1 = arith.constant 0 : i32
    return %arg0, %c0_i32, %c0_i32_0 : i32, i32, i32
  }
  func.func @transform_1(%arg0: i32) -> (i32, i32, i32) {
    %c0_i32 = arith.constant 0 : i32
    %c0_i32_0 = arith.constant 0 : i32
    %c0_i32_1 = arith.constant 0 : i32
    return %arg0, %c0_i32, %c0_i32_0 : i32, i32, i32
  }
  func.func @transform_2(%arg0: i32) -> (i32, i32, i32) {
    %c0_i32 = arith.constant 0 : i32
    %c0_i32_0 = arith.constant 0 : i32
    %c0_i32_1 = arith.constant 0 : i32
    return %arg0, %c0_i32, %c0_i32_0 : i32, i32, i32
  }
}

</mosaic_0001>

<sc_bundles>
// kernel: kernel.5.cloned.1.call-start
scs
__scs_entry_jumppad:
0x0: {  	(pc) =	sbr.rel $0x88, $3  }
0x1: {  	(tag) =	ssettag $0x0;
	lr =	simm.s32 $0x1  }
0x2: {  	[smem:$0x3F8A] =	sst lr;
	_ =	strace $0xD0000000  }
0x3: {  	_ = 	snop  }
0x4: {  	_ = 	snop  }
0x5: {  	_ = 	snop  }
0x6: {  	_ = 	snop  }
0x7: {  	_ = 	snop  }
__scs_overlays_trampoline_lowered:
0x8: {  	[smem:$0x3F99] =	sst s0  }
0x9: {  	[smem:$0x3F9A] =	sst s1  }
0xa: {  	[smem:$0x3F9B] =	sst s2  }
0xb: {  	[smem:$0x3F9C] =	sst s3  }
0xc: {  	[smem:$0x3F9D] =	sst s4  }
0xd: {  	[smem:$0x3F9E] =	sst s5  }
0xe: {  	[smem:$0x3F9F] =	sst s6  }
0xf: {  	[smem:$0x3FA0] =	sst s7  }
0x10: {  	[smem:$0x3FA1] =	sst s8  }
0x11: {  	[smem:$0x3FA2] =	sst s9;
	s0 =	simm.s32 @!p0 $0x0  }
0x12: {  	s1 =	sld [smem:$0x3F88];
	s0 =	simm.s32 @p0 $0x1  }
0x13: {  	[smem:$0x3FA3] =	sst s0;
	s0 =	simm.s32 @!p1 $0x0  }
0x14: {  	s2 =	sld [smem:$0x3F87];
	s0 =	simm.s32 @p1 $0x1  }
0x15: {  	[smem:$0x3FA4] =	sst s0;
	s0 =	simm.s32 @!p2 $0x0  }
0x16: {  	s3 =	sld [smem:$0x3FDB];
	s0 =	simm.s32 @p2 $0x1  }
0x17: {  	s4 =	simm.s32 $0x1BF5;
	[smem:$0x3FA6] =	sst s0  }
0x18: {  	s0 =	sld [smem:$0x3F89];
	_ =	swait.ge [sflag:s4], $0x0  }
0x19: {  	s7 =	sld [smem:$0x3F8A]  }
0x1a: {  	s8 =	sadd.s32 $0xFFFFE003, lr  }
0x1b: {  	s9 =	sadd.s32 $0xFFFFFEF7, lr;
	s5 =	simm.s32 $0xFFFFFFFF;
	p2 =	slt.u32 s8, $0xFFFFF086  }
0x1c: {  	p1 =	slt.u32 s9, $0xF7A;
	s5 =	simm.s32 @!p2 $0x0  }
0x1d: {  	s5 =	simm.s32 @p1 $0x1;
	p0 =	seq.s32 s7, s2  }
0x1e: {  	s7 =	smul.u32 @!p0 $0xF7A, s2;
	p2 =	seq.s32 @!p0 s5, $0x0  }
0x1f: {  	s9 =	smul.u32 $0xF7A, s1;
	s8 =	simm.s32 @!p0 $0x1BF5;
	p2 =	por !p2, p0  }
0x20: {  	[sflag:s8] =	ssyncset.s32 @!p0 $0xFFFFF086;
	s6 =	sadd.s32 @!p0 s3, s7;
	s7 =	simm.s32 @!p0 $0x108  }
0x21: {  	s3 =	sadd.s32 s3, s9;
	s6 =	sadd.s32 @!p0 $0x88, s6;
	s7 =	simm.s32 @p2 $0x1082  }
0x22: {  	[simem:s7], [sflag:s8] =	dma.local @!p0 [hbm:s6], $0xF7A  }
0x23: {  	s9 =	sor.u32 $0xD0000000, s2;
	s6 =	simm.s32 $0x108;
	_ =	swait.ge @!p0 [sflag:s8], $0x0  }
0x24: {  	s3 =	sadd.s32 $0x88, s3;
	s6 =	simm.s32 @!p1 $0x1082;
	[sflag:s4] =	ssyncset.s32 $0xFFFFF086  }
0x25: {  	[simem:s6], [sflag:s4] =	dma.local [hbm:s3], $0xF7A  }
0x26: {  	[smem:$0x3F8A] =	sst s1;
	(tag) =	ssettag s2;
	_ =	strace s9  }
0x27: {  	s1 =	sld [smem:$0x3F9A]  }
0x28: {  	s2 =	sld [smem:$0x3F9B]  }
0x29: {  	s4 =	sld [smem:$0x3F9D]  }
0x2a: {  	p0 =	seq.s32 s5, $0x0;
	s5 =	sld [smem:$0x3F9E]  }
0x2b: {  	s6 =	sld [smem:$0x3F9F]  }
0x2c: {  	s7 =	sld [smem:$0x3FA0]  }
0x2d: {  	s3 =	simm.s32 $0x108;
	s8 =	sld [smem:$0x3FA1]  }
0x2e: {  	s3 =	simm.s32 @!p0 $0x1082;
	s9 =	sld [smem:$0x3FA2]  }
0x2f: {  	lr =	sadd.s32 s0, s3;
	s0 =	sld [smem:$0x3F99]  }
0x30: {  	s3 =	sld [smem:$0x3F9C]  }
0x31: {  	[smem:$0x3FA5] =	sst s10  }
0x32: {  	s10 =	sld [smem:$0x3FA3];
	_ =	sdelay $0x3  }
0x33: {  	p0 =	seq.s32 s10, $0x1;
	s10 =	sld [smem:$0x3FA5];
	_ =	sdelay $0x3  }
0x34: {  	[smem:$0x3FA5] =	sst s10  }
0x35: {  	s10 =	sld [smem:$0x3FA4];
	_ =	sdelay $0x3  }
0x36: {  	p1 =	seq.s32 s10, $0x1;
	s10 =	sld [smem:$0x3FA5];
	_ =	sdelay $0x3  }
0x37: {  	[smem:$0x3FA5] =	sst s10  }
0x38: {  	s10 =	sld [smem:$0x3FA6]  }
0x39: {  	_ = 	snop;
	(pc) =	sbr.ind lr, $3  }
0x3a: {  	_ = 	snop  }
0x3b: {  	_ = 	snop  }
0x3c: {  	p2 =	seq.s32 s10, $0x1;
	s10 =	sld [smem:$0x3FA5]  }
0x3d: {  	_ =	shalt  }
0x3e: {  	_ =	shalt  }
0x3f: {  	_ =	shalt  }
0x40: {  	_ =	shalt  }
0x41: {  	_ =	shalt  }
0x42: {  	_ =	shalt  }
0x43: {  	_ =	shalt  }
0x44: {  	_ =	shalt  }
0x45: {  	_ =	shalt  }
0x46: {  	_ =	shalt  }
0x47: {  	_ =	shalt  }
0x48: {  	_ =	shalt  }
0x49: {  	_ =	shalt  }
0x4a: {  	_ =	shalt  }
0x4b: {  	_ =	shalt  }
0x4c: {  	_ =	shalt  }
0x4d: {  	_ =	shalt  }
0x4e: {  	_ =	shalt  }
0x4f: {  	_ =	shalt  }
0x50: {  	_ =	shalt  }
0x51: {  	_ =	shalt  }
0x52: {  	_ =	shalt  }
0x53: {  	_ =	shalt  }
0x54: {  	_ =	shalt  }
0x55: {  	_ =	shalt  }
0x56: {  	_ =	shalt  }
0x57: {  	_ =	shalt  }
0x58: {  	_ =	shalt  }
0x59: {  	_ =	shalt  }
0x5a: {  	_ =	shalt  }
0x5b: {  	_ =	shalt  }
0x5c: {  	_ =	shalt  }
0x5d: {  	_ =	shalt  }
0x5e: {  	_ =	shalt  }
0x5f: {  	_ =	shalt  }
0x60: {  	_ =	shalt  }
0x61: {  	_ =	shalt  }
0x62: {  	_ =	shalt  }
0x63: {  	_ =	shalt  }
0x64: {  	_ =	shalt  }
0x65: {  	_ =	shalt  }
0x66: {  	_ =	shalt  }
0x67: {  	_ =	shalt  }
0x68: {  	_ =	shalt  }
0x69: {  	_ =	shalt  }
0x6a: {  	_ =	shalt  }
0x6b: {  	_ =	shalt  }
0x6c: {  	_ =	shalt  }
0x6d: {  	_ =	shalt  }
0x6e: {  	_ =	shalt  }
0x6f: {  	_ =	shalt  }
0x70: {  	_ =	shalt  }
0x71: {  	_ =	shalt  }
0x72: {  	_ =	shalt  }
0x73: {  	_ =	shalt  }
0x74: {  	_ =	shalt  }
0x75: {  	_ =	shalt  }
0x76: {  	_ =	shalt  }
0x77: {  	_ =	shalt  }
0x78: {  	_ =	shalt  }
0x79: {  	_ =	shalt  }
0x7a: {  	_ =	shalt  }
0x7b: {  	_ =	shalt  }
0x7c: {  	_ =	shalt  }
0x7d: {  	_ =	shalt  }
0x7e: {  	_ =	shalt  }
0x7f: {  	_ =	shalt  }
0x80: {  	_ =	shalt  }
0x81: {  	_ =	shalt  }
0x82: {  	_ =	shalt  }
0x83: {  	_ =	shalt  }
0x84: {  	_ =	shalt  }
0x85: {  	_ =	shalt  }
0x86: {  	_ =	shalt  }
0x87: {  	_ =	shalt  }
.Lfunc_end0:
.L_simem_size_0:
called_computation_lowered:
.L_overlay_start_0:
0x88: {  	s2 =	sld [smem:$0x3FD9]  }
0x89: {  	s3 =	sld [smem:$0x3FFE];
	_ =	sdelay $0x1  }
0x8a: {  	s1 =	srdreg.scid  }
0x8b: {  	s0 =	sand.u32 $0x1, s1  }
0x8c: {  	s17 =	sshll.u32 s0, $0xA;
	s2 =	sadd.s32 s3, s2  }
0x8d: {  	s2 =	sadd.s32 s2, s17  }
0x8e: {  	[smem:$0x3FB1] =	sst s2  }
0x8f: {  	_ = 	snop  }
0x90: {  	s2 =	sld [smem:$0x3FD0];
	(tm) =	ssettm $0x1  }
0x91: {  	s18 =	sld [smem:$0x3FFB];
	_ =	sdelay $0x3  }
0x92: {  	_ =	strace s18  }
0x93: {  	s3 =	sld [smem:$0x3FFC];
	_ =	sdelay $0x3  }
0x94: {  	_ =	strace s3  }
0x95: {  	s3 =	sld [smem:$0x3FFD];
	_ =	sdelay $0x3  }
0x96: {  	_ =	strace s3  }
0x97: {  	_ =	strace $0x8FFFFFFF  }
0x98: {  	s19 =	sld [smem:$0x3FDB];
	_ =	sdelay $0x1  }
0x99: {  	s4 =	simm.s32 $_scs_section_size  }
0x9a: {  	s5 =	simm.s32 $_size__tile_overlayer_lowered;
	s6 =	simm.s32 $_tile_overlayer_lowered  }
0x9b: {  	s22 =	simm.s32 $0x1BFF;
	s21 =	sshll.u32 s6, $0x1;
	s3 =	sadd.s32 s4, s19  }
0x9c: {  	s7 =	simm.s32 $0x0;
	s20 =	sshll.u32 s5, $0x1;
	s5 =	sadd.s32 s21, s3  }
0x9d: {  	[timem:s7], [sflag:s22] =	dma.local [hbm:s5], s20  }
0x9e: {  	_ =	swait.ge [sflag:s22], s20  }
0x9f: {  	s4 =	ssub.s32 $0x0, s20;
	[sflag:s22] =	ssyncset.done $0x0  }
0xa0: {  	[sflag:s22] =	ssyncadd.s32 s4;
	_ =	sdelay $0x1  }
0xa1: {  	s23 =	simm.s32 $0x1B8B  }
0xa2: {  	_ =	swait.ge [sflag:s23], $0x1  }
0xa3: {  	[sflag:s23] =	ssyncset.done $0x0  }
0xa4: {  	s25 =	simm.s32 $0x1B8E;
	s24 =	sld [smem:$0x3FFE];
	[sflag:s23] =	ssyncadd.s32 $0xFFFFFFFF  }
0xa5: {  	s26 =	simm.s32 $execute0_lowered;
	[smem:$0x3FD2] =	sst s25  }
0xa6: {  	s5 =	sshll.u32 s26, $0x1;
	_ =	strace $0x80000046;
	[dreg:$0x1] =	wrdreg $0xFFFFFFFF  }
0xa7: {  	s28 =	simm.s32 $_size_execute0_lowered;
	s3 =	sadd.s32 s3, s5;
	[dreg:$0x0] =	wrdreg $0x0  }
0xa8: {  	s5 =	sshll.u32 s28, $0x1;
	[dreg:$0x2] =	wrdreg s3  }
0xa9: {  	[dreg:$0x3] =	wrdreg s5  }
0xaa: {  	[dreg:$0x4] =	wrdreg $0xC0  }
0xab: {  	_ =	task [dreg:s7], $0x5FFFF  }
0xac: {  	[dreg:$0x1] =	wrdreg $0xFFFFFFFF  }
0xad: {  	[dreg:$0x0] =	wrdreg $0x60  }
0xae: {  	[dreg:$0x2] =	wrdreg s2  }
0xaf: {  	[dreg:$0x3] =	wrdreg s24  }
0xb0: {  	[dreg:$0x4] =	wrdreg $0x9  }
0xb1: {  	_ =	task.clear_ibuf [dreg:s7], $0x5FFFF;
	_ =	strace $0x90000046  }
0xb2: {  	s29 =	simm.s32 $0x9;
	_ =	strace $0x80000048  }
0xb3: {  	_ =	swait.ge [sflag:s29], $0x1  }
0xb4: {  	[sflag:s29] =	ssyncadd.s32 $0xFFFFFFFF  }
0xb5: {  	_ =	strace $0x90000048  }
0xb6: {  	_ =	sfence  }
0xb7: {  	s30 =	sld [smem:$0x0];
	_ =	sdelay $0x2  }
0xb8: {  	s31 =	sshll.u32 s1, $0xD;
	s1 =	sshrl.u32 s1, $0x2  }
0xb9: {  	s3 =	sand.u32 $0x4000, s31;
	s1 =	sadd.s32 s1, s30  }
0xba: {  	s0 =	sor.u32 s3, s0;
	s1 =	sshll.u32 s1, $0x11  }
0xbb: {  	s0 =	sor.u32 s1, s0  }
0xbc: {  	s0 =	sadd.s32 $0x8F2B, s0  }
0xbd: {  	[sflag:s0] =	ssyncadd.remote.s32 $0x1  }
0xbe: {  	_ =	sfence.sel $0xFFFF  }
0xbf: {  	[dreg:$0x0] =	wrdreg $0xFFFFFFFF;
	(pc) =	sbr.abs _section_cstart, $3  }
0xc0: {  	[dreg:$0x1] =	wrdreg $0xFFFFFFFF  }
0xc1: {  	_ =	task.clear_ibuf [dreg:s7], $0x2FFFF;
	_ =	strace $0x9FFFFFFF  }
0xc2: {  	(tm) =	ssettm $0x7FFFFFFF  }
0xc3: {  	_ =	shalt  }
tec
execute0_lowered:
.L_overlay_start_1:
0x0: {  	(tag) =	ssettag $0x1  }
0x1: {  	s1 =	rddreg [dreg:$0x0]  }
0x2: {  	s2 =	rddreg [dreg:$0x1];
	s3 =	simm.s32 $0x0;
	s0 =	srdreg.scid  }
0x3: {  	s15 =	stileid.u32;
	s16 =	simm.s32 $0x18D80;
	s17 =	simm.s32 $0x2  }
0x4: {  	s18 =	simm.s32 $0x16D80;
	s19 =	simm.s32 $0x40;
	s20 =	simm.s32 $0x14D80  }
0x5: {  	s21 =	simm.s32 $0x1;
	s22 =	simm.s32 $0x1CE00;
	s23 =	simm.s32 $0x1AE00  }
0x6: {  	s24 =	simm.s32 $0x18E00;
	s25 =	simm.s32 $0x1EE80;
	s28 =	simm.s32 $0x20  }
0x7: {  	s29 =	simm.s32 $0x1CE80;
	[smem:$0x7FF] =	sst s3;
	s4 =	sadd.s32 $0x71800, s2  }
0x8: {  	s5 =	sadd.s32 $0x493800, s2;
	s6 =	sadd.s32 $0x400, s2;
	s8 =	sadd.s32 $0x14400, s2  }
0x9: {  	s9 =	sadd.s32 $0x14E00, s2;
	s10 =	sadd.s32 $0x58E00, s2;
	s12 =	smul.u32 $0x1088, s15  }
0xa: {  	s0 =	sand.u32 $0x1, s0;
	s13 =	sadd.s32 $0xE76000, s2;
	s14 =	smul.u32 $0x4220, s15  }
0xb: {  	s31 =	smul.u32 $0x148800, s15;
	_ =	strace $0x80000047;
	s7 =	ssub.s32 $0x2, s0  }
0xc: {  	[dreg:$0x3] =	wrdreg s13;
	s0 =	sshll.u32 s0, $0x3;
	s26 =	sshrl.u32 s7, $0x1  }
0xd: {  	s30 =	smul.u32 $0x94C8, s15;
	[dreg:$0x4] =	wrdreg s0;
	s7 =	ssub.s32 s7, s26  }
0xe: {  	v3 =	vimm.f32 $0.0e+00;
	s11 =	sadd.s32 $0xDE0000, s2;
	[dreg:$0x5] =	wrdreg s31;
	s7 =	smax.u32 s7, $0x1  }
0xf: {  	v0 =	vmov s12;
	v1 =	vmov s14;
	v2 =	vmov s30;
	s26 =	simm.s32 $0x1DE80;
	[dreg:$0x6] =	wrdreg s7;
	s7 =	simm.s32 $0x0  }
.LBB2_1:
0x10: {  	[dreg:$0x7] =	wrdreg s7;
	s7 =	simm.s32 $0x0  }
.LBB2_2:
0x11: {  	s0 =	simm.s32 $0x40;
	s13 =	simm.s32 $0x0  }
.LBB2_3:
0x12: {  	p0 =	sne.s32 s0, $0x53400;
	[tilespmem:s13+$0x0] =	vst v3;
	s12 =	smov.u32 s0;
	s0 =	sadd.s32 $0x40, s0  }
.Ltmp0:
0x13: {  	(pc) =	sbr.rel @p0 .LBB2_3-.Ltmp0, $2  }
0x14: {  	_ =	sdelay $0x2  }
0x15: {  	s13 =	sshra.s32 s12, $0x2  }
0x16: {  	s0 =	rddreg [dreg:$0x4]  }
0x17: {  	s30 =	sadd.s32 s7, s0  }
0x18: {  	s0 =	sshrl.u32 s30, $0x3  }
0x19: {  	[dreg:$0x8] =	wrdreg s0;
	s0 =	smul.u32 $0xC00, s0  }
0x1a: {  	s12 =	sshll.u32 s7, $0x7;
	s14 =	simm.s32 $0x0;
	s31 =	simm.s32 $0x0  }
0x1b: {  	[tilespmem:s13+$0x0] =	vst v3;
	[dreg:$0x9] =	wrdreg s12;
	s13 =	smul.u32 $0xA000, s30;
	s12 =	sadd.s32 s12, s0  }
.LBB2_5:
0x1c: {  	s0 =	sshll.u32 s31, $0x9  }
0x1d: {  	s15 =	sshll.u32 s31, $0x6;
	s0 =	sand.u32 $0xC00, s0  }
0x1e: {  	s15 =	sand.u32 $0x40, s15;
	s0 =	sadd.s32 s12, s0  }
0x1f: {  	s0 =	sor.u32 s15, s0  }
0x20: {  	s0 =	sshrl.u32 s0, $0x3  }
0x21: {  	s0 =	sadd.s32 s2, s0  }
0x22: {  	[tilespmem:s16], [sflag:$0x2] =	stream.linear.gather [hbm4b:s0+s14], $0x40, $0x38;
	[tilespmem:$0x1EF00] =	vst v63  }
0x23: {  	_ =	swait.ge [sflag:s17], $0x40  }
0x24: {  	[sflag:s17] =	ssyncset.done $0x0  }
0x25: {  	[sflag:s17] =	ssyncadd.s32 $0xFFFFFFC0  }
0x26: {  	v4 =	vld [tilespmem:$0x18D80]  }
0x27: {  	v5 =	vld [tilespmem:$0x18D90]  }
0x28: {  	v6 =	vld [tilespmem:$0x18DA0]  }
0x29: {  	v7 =	vld [tilespmem:$0x18DB0];
	_ =	sdelay $0x1  }
0x2a: {  	v4 =	vadd.s32 v0, v4  }
0x2b: {  	s15 =	sshll.u32 s31, $0xD;
	[tilespmem:$0x18D80] =	vst v4;
	v4 =	vadd.s32 v0, v5  }
0x2c: {  	s0 =	sadd.s32 s13, s15;
	[tilespmem:$0x18D90] =	vst v4;
	v4 =	vadd.s32 v0, v6  }
0x2d: {  	s0 =	sshrl.u32 s0, $0x3;
	[tilespmem:$0x18DA0] =	vst v4;
	v4 =	vadd.s32 v0, v7  }
0x2e: {  	s0 =	sadd.s32 s6, s0;
	[tilespmem:$0x18DB0] =	vst v4  }
0x2f: {  	[tilespmem:s18], [sflag:$0x2] =	stream.linear.gather [hbm4b:s0+s14], $0x2000, $0x38;
	[tilespmem:$0x1EF00] =	vst v63  }
0x30: {  	_ =	swait.ge [sflag:s17], $0x2000  }
0x31: {  	[sflag:s17] =	ssyncset.done $0x0  }
0x32: {  	[sflag:s17] =	ssyncadd.s32 $0xFFFFE000  }
0x33: {  	[tilespmem:s20], [sflag:$0x1] =	stream.indirect.gather [hbm4b:s1+s19], $0x80, s16, s19, $0xb8;
	[tilespmem:$0x1EF00] =	vst v63  }
0x34: {  	_ =	swait.ge [sflag:s21], $0x2000  }
0x35: {  	[sflag:s21] =	ssyncset.done $0x0  }
0x36: {  	s15 =	simm.s32 $0x0;
	s0 =	simm.s32 $0x200;
	[sflag:s21] =	ssyncadd.s32 $0xFFFFE000  }
.LBB2_6:
0x37: {  	p0 =	sne.s32 s0, $0x7E00;
	v4 =	vld [tilespmem:s15+$0x16D80];
	_ =	sdelay $0x2  }
0x38: {  	v5 =	vld [tilespmem:s15+$0x14D80]  }
.Ltmp1:
0x39: {  	(pc) =	sbr.rel @p0 .LBB2_6-.Ltmp1, $2  }
0x3a: {  	_ =	sdelay $0x2  }
0x3b: {  	s15 =	sshra.s32 s0, $0x2;
	s0 =	sadd.s32 $0x200, s0;
	[tilespmem:v4+s3+$0x0] =	vst.idx.add.f32.msk $0xffff, v5  }
0x3c: {  	v4 =	vld [tilespmem:s15+$0x16D80];
	_ =	sdelay $0x1  }
0x3d: {  	s31 =	sadd.s32 $0x1, s31  }
0x3e: {  	v5 =	vld [tilespmem:s15+$0x14D80];
	p0 =	sne.s32 s31, $0x5  }
.Ltmp2:
0x3f: {  	_ = 	snop;
	(pc) =	sbr.rel @p0 .LBB2_5-.Ltmp2, $2  }
0x40: {  	_ =	sdelay $0x2  }
0x41: {  	[tilespmem:v4+s3+$0x0] =	vst.idx.add.f32.msk $0xffff, v5  }
0x42: {  	s0 =	rddreg [dreg:$0x8]  }
0x43: {  	s12 =	rddreg [dreg:$0x9];
	s0 =	smul.u32 $0x2400, s0  }
0x44: {  	[dreg:$0xa] =	wrdreg s30;
	s13 =	simm.s32 $0x0  }
0x45: {  	s14 =	simm.s32 $0x0;
	s31 =	sadd.s32 s12, s0;
	s12 =	smul.u32 $0x22000, s30  }
.LBB2_9:
0x46: {  	s0 =	sshll.u32 s14, $0x9  }
0x47: {  	s15 =	sshll.u32 s14, $0x6;
	s0 =	sand.u32 $0x3C00, s0  }
0x48: {  	s15 =	sand.u32 $0x40, s15;
	s0 =	sadd.s32 s31, s0  }
0x49: {  	s0 =	sor.u32 s15, s0  }
0x4a: {  	s0 =	sshrl.u32 s0, $0x3  }
0x4b: {  	s0 =	sadd.s32 s8, s0  }
0x4c: {  	[tilespmem:s22], [sflag:$0x2] =	stream.linear.gather [hbm4b:s0+s13], $0x40, $0x38;
	[tilespmem:$0x1EF00] =	vst v63  }
0x4d: {  	_ =	swait.ge [sflag:s17], $0x40  }
0x4e: {  	[sflag:s17] =	ssyncset.done $0x0  }
0x4f: {  	[sflag:s17] =	ssyncadd.s32 $0xFFFFFFC0  }
0x50: {  	v4 =	vld [tilespmem:$0x1CE00]  }
0x51: {  	v5 =	vld [tilespmem:$0x1CE10]  }
0x52: {  	v6 =	vld [tilespmem:$0x1CE20]  }
0x53: {  	v7 =	vld [tilespmem:$0x1CE30];
	_ =	sdelay $0x1  }
0x54: {  	v4 =	vadd.s32 v1, v4  }
0x55: {  	s30 =	sshll.u32 s14, $0xD;
	[tilespmem:$0x1CE00] =	vst v4;
	v4 =	vadd.s32 v1, v5  }
0x56: {  	s0 =	sadd.s32 s12, s30;
	[tilespmem:$0x1CE10] =	vst v4;
	v4 =	vadd.s32 v1, v6  }
0x57: {  	s0 =	sshrl.u32 s0, $0x3;
	[tilespmem:$0x1CE20] =	vst v4;
	v4 =	vadd.s32 v1, v7  }
0x58: {  	s0 =	sadd.s32 s9, s0;
	[tilespmem:$0x1CE30] =	vst v4  }
0x59: {  	[tilespmem:s23], [sflag:$0x2] =	stream.linear.gather [hbm4b:s0+s13], $0x2000, $0x38;
	[tilespmem:$0x1EF00] =	vst v63  }
0x5a: {  	_ =	swait.ge [sflag:s17], $0x2000  }
0x5b: {  	[sflag:s17] =	ssyncset.done $0x0  }
0x5c: {  	[sflag:s17] =	ssyncadd.s32 $0xFFFFE000  }
0x5d: {  	[tilespmem:s24], [sflag:$0x1] =	stream.indirect.gather [hbm4b:s4+s19], $0x80, s22, s19, $0xb8;
	[tilespmem:$0x1EF00] =	vst v63  }
0x5e: {  	_ =	swait.ge [sflag:s21], $0x2000  }
0x5f: {  	[sflag:s21] =	ssyncset.done $0x0  }
0x60: {  	s30 =	simm.s32 $0x0;
	[sflag:s21] =	ssyncadd.s32 $0xFFFFE000  }
0x61: {  	v4 =	vld [tilespmem:s30+$0x1AE00];
	_ =	sdelay $0x2  }
0x62: {  	v5 =	vld [tilespmem:s30+$0x18E00];
	_ =	sdelay $0x4  }
0x63: {  	[tilespmem:v4+s3+$0x0] =	vst.idx.add.f32.msk $0xffff, v5  }
0x64: {  	v4 =	vld [tilespmem:s30+$0x1AE10];
	_ =	sdelay $0x2  }
0x65: {  	s15 =	simm.s32 $0x400;
	s0 =	simm.s32 $0x200;
	v5 =	vld [tilespmem:s30+$0x18E10]  }
.LBB2_10:
0x66: {  	_ =	sdelay $0x2  }
0x67: {  	p0 =	sne.s32 s15, $0x7E00  }
0x68: {  	s30 =	sshra.s32 s0, $0x2;
	s0 =	smov.u32 s15;
	s15 =	sadd.s32 $0x200, s15;
	[tilespmem:v4+s3+$0x0] =	vst.idx.add.f32.msk $0xffff, v5  }
0x69: {  	v4 =	vld [tilespmem:s30+$0x1AE00];
	_ =	sdelay $0x2  }
0x6a: {  	v5 =	vld [tilespmem:s30+$0x18E00];
	_ =	sdelay $0x4  }
.Ltmp3:
0x6b: {  	[tilespmem:v4+s3+$0x0] =	vst.idx.add.f32.msk $0xffff, v5;
	(pc) =	sbr.rel @p0 .LBB2_10-.Ltmp3, $2  }
0x6c: {  	v4 =	vld [tilespmem:s30+$0x1AE10];
	_ =	sdelay $0x2  }
0x6d: {  	v5 =	vld [tilespmem:s30+$0x18E10]  }
0x6e: {  	_ =	sdelay $0x4  }
0x6f: {  	s0 =	sshra.s32 s0, $0x2;
	[tilespmem:v4+s3+$0x0] =	vst.idx.add.f32.msk $0xffff, v5  }
0x70: {  	v4 =	vld [tilespmem:s0+$0x1AE00];
	_ =	sdelay $0x2  }
0x71: {  	v5 =	vld [tilespmem:s0+$0x18E00];
	_ =	sdelay $0x4  }
0x72: {  	[tilespmem:v4+s3+$0x0] =	vst.idx.add.f32.msk $0xffff, v5  }
0x73: {  	v4 =	vld [tilespmem:s0+$0x1AE10];
	_ =	sdelay $0x1  }
0x74: {  	s14 =	sadd.s32 $0x1, s14  }
0x75: {  	p0 =	sne.s32 s14, $0x11;
	v5 =	vld [tilespmem:s0+$0x18E10]  }
.Ltmp4:
0x76: {  	_ = 	snop;
	(pc) =	sbr.rel @p0 .LBB2_9-.Ltmp4, $2  }
0x77: {  	_ =	sdelay $0x2  }
0x78: {  	[tilespmem:v4+s3+$0x0] =	vst.idx.add.f32.msk $0xffff, v5  }
0x79: {  	s0 =	rddreg [dreg:$0x8]  }
0x7a: {  	s12 =	rddreg [dreg:$0x9];
	s0 =	smul.u32 $0x4C00, s0  }
0x7b: {  	s31 =	rddreg [dreg:$0xa];
	s14 =	simm.s32 $0x0  }
0x7c: {  	s30 =	simm.s32 $0x0;
	s13 =	smul.u32 $0x4B000, s31;
	s12 =	sadd.s32 s12, s0  }
.LBB2_13:
0x7d: {  	s0 =	sshll.u32 s30, $0x8  }
0x7e: {  	s15 =	sshll.u32 s30, $0x5;
	s0 =	sand.u32 $0x7C00, s0  }
0x7f: {  	s15 =	sand.u32 $0x60, s15;
	s0 =	sadd.s32 s12, s0  }
0x80: {  	s0 =	sor.u32 s15, s0  }
0x81: {  	s0 =	sshrl.u32 s0, $0x3  }
0x82: {  	s0 =	sadd.s32 s10, s0  }
0x83: {  	[tilespmem:s25], [sflag:$0x2] =	stream.linear.gather [hbm4b:s0+s14], $0x20, $0x38;
	[tilespmem:$0x1EF00] =	vst v63  }
0x84: {  	_ =	swait.ge [sflag:s17], $0x20  }
0x85: {  	[sflag:s17] =	ssyncset.done $0x0  }
0x86: {  	[sflag:s17] =	ssyncadd.s32 $0xFFFFFFE0  }
0x87: {  	v4 =	vld [tilespmem:$0x1EE80]  }
0x88: {  	v5 =	vld [tilespmem:$0x1EE90];
	_ =	sdelay $0x2  }
0x89: {  	s31 =	sshll.u32 s30, $0xC  }
0x8a: {  	s0 =	sadd.s32 s13, s31;
	v4 =	vadd.s32 v2, v4  }
0x8b: {  	s0 =	sshrl.u32 s0, $0x3;
	[tilespmem:$0x1EE80] =	vst v4;
	v4 =	vadd.s32 v2, v5  }
0x8c: {  	s0 =	sadd.s32 s11, s0;
	[tilespmem:$0x1EE90] =	vst v4  }
0x8d: {  	[tilespmem:s26], [sflag:$0x2] =	stream.linear.gather [hbm4b:s0+s14], $0x1000, $0x38;
	[tilespmem:$0x1EF00] =	vst v63  }
0x8e: {  	_ =	swait.ge [sflag:s17], $0x1000  }
0x8f: {  	[sflag:s17] =	ssyncset.done $0x0  }
0x90: {  	[sflag:s17] =	ssyncadd.s32 $0xFFFFF000  }
0x91: {  	[tilespmem:s29], [sflag:$0x1] =	stream.indirect.gather [hbm4b:s5+s28], $0x80, s25, s28, $0xb8;
	[tilespmem:$0x1EF00] =	vst v63  }
0x92: {  	_ =	swait.ge [sflag:s21], $0x1000  }
0x93: {  	[sflag:s21] =	ssyncset.done $0x0  }
0x94: {  	s0 =	simm.s32 $0x0;
	[sflag:s21] =	ssyncadd.s32 $0xFFFFF000  }
.LBB2_14:
0x95: {  	s15 =	sshra.s32 s0, $0x2  }
0x96: {  	v4 =	vld [tilespmem:s15+$0x1DE80];
	_ =	sdelay $0x2  }
0x97: {  	v5 =	vld [tilespmem:s15+$0x1CE80];
	_ =	sdelay $0x4  }
0x98: {  	[tilespmem:v4+s3+$0x0] =	vst.idx.add.f32.msk $0xffff, v5  }
0x99: {  	v4 =	vld [tilespmem:s15+$0x1DE90];
	_ =	sdelay $0x2  }
0x9a: {  	v5 =	vld [tilespmem:s15+$0x1CE90];
	_ =	sdelay $0x4  }
0x9b: {  	[tilespmem:v4+s3+$0x0] =	vst.idx.add.f32.msk $0xffff, v5  }
0x9c: {  	v4 =	vld [tilespmem:s15+$0x1DEA0];
	_ =	sdelay $0x2  }
0x9d: {  	v5 =	vld [tilespmem:s15+$0x1CEA0];
	_ =	sdelay $0x4  }
0x9e: {  	[tilespmem:v4+s3+$0x0] =	vst.idx.add.f32.msk $0xffff, v5  }
0x9f: {  	v4 =	vld [tilespmem:s15+$0x1DEB0];
	_ =	sdelay $0x2  }
0xa0: {  	v5 =	vld [tilespmem:s15+$0x1CEB0];
	_ =	sdelay $0x4  }
0xa1: {  	[tilespmem:v4+s3+$0x0] =	vst.idx.add.f32.msk $0xffff, v5  }
0xa2: {  	v4 =	vld [tilespmem:s15+$0x1DEC0];
	_ =	sdelay $0x2  }
0xa3: {  	p0 =	sne.s32 s0, $0x3E00;
	v5 =	vld [tilespmem:s15+$0x1CEC0]  }
.Ltmp5:
0xa4: {  	_ = 	snop;
	(pc) =	sbr.rel @p0 .LBB2_14-.Ltmp5, $2  }
0xa5: {  	_ =	sdelay $0x2  }
0xa6: {  	s0 =	sadd.s32 $0x200, s0;
	[tilespmem:v4+s3+$0x0] =	vst.idx.add.f32.msk $0xffff, v5  }
0xa7: {  	s30 =	sadd.s32 $0x1, s30  }
0xa8: {  	p0 =	sne.s32 s30, $0x4B  }
.Ltmp6:
0xa9: {  	_ = 	snop;
	(pc) =	sbr.rel @p0 .LBB2_13-.Ltmp6, $1  }
0xaa: {  	_ =	sdelay $0x3  }
0xab: {  	s0 =	rddreg [dreg:$0x8]  }
0xac: {  	s0 =	smul.u32 $0xA4400, s0  }
0xad: {  	s12 =	rddreg [dreg:$0x5]  }
0xae: {  	s15 =	rddreg [dreg:$0x9];
	s0 =	sadd.s32 s12, s0  }
0xaf: {  	s30 =	rddreg [dreg:$0x3];
	s7 =	sadd.s32 $0x1, s7;
	s0 =	sadd.s32 s15, s0  }
0xb0: {  	s31 =	simm.s32 $0x80;
	p0 =	sne.s32 s7, $0x8;
	s0 =	sshrl.u32 s0, $0x3  }
.Ltmp7:
0xb1: {  	s13 =	simm.s32 $0x400;
	s0 =	sadd.s32 s30, s0;
	(pc) =	sbr.rel @p0 .LBB2_2-.Ltmp7, $4  }
0xb2: {  	[hbm4b:s0+s31] =	stream.strided.scatter [tilespmem:s3], [sflag:$0x2], $0x14880, s13, s31, $0x38;
	[tilespmem:$0x1EF00] =	vst v63  }
0xb3: {  	_ =	swait.ge [sflag:s17], $0x14880  }
0xb4: {  	[sflag:s17] =	ssyncset.done $0x0  }
0xb5: {  	[sflag:s17] =	ssyncadd.s32 $0xFFFEB780  }
0xb6: {  	s7 =	rddreg [dreg:$0x7]  }
0xb7: {  	s0 =	rddreg [dreg:$0x6];
	s7 =	sadd.s32 $0x1, s7  }
0xb8: {  	p0 =	sne.s32 s7, s0  }
.Ltmp8:
0xb9: {  	_ = 	snop;
	(pc) =	sbr.rel @p0 .LBB2_1-.Ltmp8, $1  }
0xba: {  	_ =	sdelay $0x3  }
0xbb: {  	_ =	sfence.sel $0x180000  }
0xbc: {  	[bflag:$0x0] =	sbarrier.arrive $0xFFFF  }
0xbd: {  	_ =	strace $0x90000047  }
0xbe: {  	s0 =	stileid.u32;
	[bflag:$0x2] =	sbarrier.arrive $0xFFFF  }
0xbf: {  	p0 =	sne.s32 s0, $0x0;
	s0 =	rddreg [dreg:$0x2]  }
0xc0: {  	s0 =	sadd.s32 @!p0 $0x100000, s0  }
0xc1: {  	[sflag:s0] =	ssyncadd.tile.s32 @!p0 $0x1;
	_ =	shalt  }
.Lfunc_end2:
_tile_overlayer_lowered:
.L_overlay_start_2:
0xc2: {  	(tag) =	ssettag $0x2  }
0xc3: {  	s0 =	rddreg [dreg:$0x0];
	s2 =	stileid.u32  }
0xc4: {  	s1 =	rddreg [dreg:$0x1];
	p0 =	sne.s32 s2, $0x0  }
0xc5: {  	s3 =	rddreg [dreg:$0x2];
	[bflag:$0x3] =	sbarrier.arrive $0xFFFF;
	s2 =	simm.s32 @!p0 $0x1C02  }
0xc6: {  	[timem:s3], [sflag:s2] =	dma.local @!p0 [hbm:s0], s1  }
0xc7: {  	s0 =	simm.s32 @!p0 $0x2  }
0xc8: {  	_ =	swait.ge @!p0 [sflag:s0], s1  }
0xc9: {  	s1 =	ssub.s32 @!p0 $0x0, s1;
	[sflag:s0] =	ssyncset.done @!p0 $0x0  }
0xca: {  	[sflag:s0] =	ssyncadd.s32 @!p0 s1  }
0xcb: {  	[bflag:$0x3] =	sbarrier.arrive $0xFFFF  }
0xcc: {  	_ =	shalt  }

</sc_bundles>
